<compile_context>
chip_gen: v7x
topology: tpu7x:2x2x1
jax: 0.10.2.dev20260603
libtpu: 0.0.44.dev20260713+nightly
codegen_flags: <defaults>
</compile_context>

<pallas_src>
import functools

import jax
import jax.numpy as jnp
from jax import lax
from jax.experimental import pallas as pl
from jax.experimental.pallas import tpu as pltpu
from jax.experimental.pallas import tpu_sc as plsc

_LANES = 16
_NC = 2
_NS = 16
_NW = _NC * _NS
_UNROLL = 2
_NCH = 2


@functools.lru_cache(maxsize=None)
def _build_sc_loss(n: int, e: int, chunk: int):
    nv = chunk // _LANES
    assert chunk % (_NCH * _UNROLL * _LANES) == 0 and nv % _UNROLL == 0
    lbase_max = (n - chunk) // 8 * 8
    mesh = plsc.VectorSubcoreMesh(core_axis_name="c", subcore_axis_name="s")

    @functools.partial(
        pl.kernel,
        out_type=jax.ShapeDtypeStruct((_NC * _LANES,), jnp.float32),
        mesh=mesh,
        compiler_params=pltpu.CompilerParams(needs_layout_passes=False),
        scratch_types=[
            pltpu.VMEM((n,), jnp.int32),
            *[pltpu.VMEM((chunk // _NCH,), jnp.int32)
              for _ in range(4 * _NCH)],
            pltpu.VMEM((_LANES,), jnp.float32),
            pltpu.VMEM((_NS * _LANES,), jnp.float32),
            pltpu.VMEM_SHARED((_NS * _LANES,), jnp.float32),
            pltpu.SemaphoreType.DMA,
            pltpu.SemaphoreType.DMA,
            pltpu.SemaphoreType.DMA,
        ],
    )
    def sc_loss(ids_hbm, eflat_hbm, pack_hbm, out_hbm, table_v,
                *rest):
        bufs, (acc_v, red_v, shared, sem_t, sem_l, sem_g) = (
            rest[:4 * _NCH], rest[4 * _NCH:])
        ids_l = bufs[0::4]
        ids2_l = bufs[1::4]
        src_l = bufs[2::4]
        dst_l = bufs[3::4]
        c = lax.axis_index("c")
        s = lax.axis_index("s")
        wid = s * _NC + c
        owned_lo = wid * chunk
        lbase = jnp.minimum(owned_lo, lbase_max)

        cp_tab = pltpu.async_copy(pack_hbm, table_v, sem_t)
        csz = chunk // _NCH
        cp_ids = [pltpu.async_copy(ids_hbm.at[pl.ds(lbase + ch * csz, csz)],
                                   ids_l[ch], sem_l)
                  for ch in range(_NCH)]

        cvec = csz // _LANES
        iota = lax.iota(jnp.int32, 16)
        gathers = []
        for ch in range(_NCH):
            cp_ids[ch].wait()
            idsr = ids_l[ch]
            ids2r = ids2_l[ch]

            def prep_body(k, carry, idsr=idsr, ids2r=ids2r):
                o = k * (_LANES * _UNROLL)
                for u in range(_UNROLL):
                    ou = o + u * _LANES
                    v = idsr[pl.ds(ou, _LANES)]
                    b = v + (v & -128)
                    idsr[pl.ds(ou, _LANES)] = b
                    ids2r[pl.ds(ou, _LANES)] = b + 128
                return carry
            lax.fori_loop(0, cvec // _UNROLL, prep_body, 0)
            gathers.append(pltpu.async_copy(
                eflat_hbm.at[idsr], src_l[ch], sem_g))
            gathers.append(pltpu.async_copy(
                eflat_hbm.at[ids2r], dst_l[ch], sem_g))

        cp_tab.wait()

        def zero_body(k, acc):
            o = k * (_LANES * _UNROLL)
            for u in range(_UNROLL):
                ou = o + u * _LANES
                w = table_v[pl.ds(lbase + ou, _LANES)]
                p = lax.bitcast_convert_type(w & -8, jnp.float32)
                glob = lbase + ou + iota
                m = ((w & 7) == 0) & (glob >= owned_lo) & (glob < n)
                acc = acc + jnp.where(m, p * p, 0.0)
            return acc
        acc = lax.fori_loop(0, nv // _UNROLL, zero_body,
                            jnp.zeros((_LANES,), jnp.float32))

        def make_edge_body(ch):
            srcr = src_l[ch]
            dstr = dst_l[ch]
            cb = ch * csz

            def edge_body(k, acc):
                o = k * (_LANES * _UNROLL)
                for u in range(_UNROLL):
                    ou = o + u * _LANES
                    si = srcr[pl.ds(ou, _LANES)]
                    di = dstr[pl.ds(ou, _LANES)]
                    wi = plsc.load_gather(table_v, [si])
                    wj = plsc.load_gather(table_v, [di])
                    li = wi & 7
                    lj = wj & 7
                    pi = lax.bitcast_convert_type(wi & -8, jnp.float32)
                    pj = lax.bitcast_convert_type(wj & -8, jnp.float32)
                    dp = pi - pj
                    margin = jnp.abs(li - lj).astype(jnp.float32)
                    h = jnp.maximum(margin - jnp.abs(dp), 0.0)
                    contrib = jnp.where(li == lj, dp * dp, 10.0 * h * h)
                    glob = lbase + cb + ou + iota
                    m = (glob >= owned_lo) & (glob < n)
                    acc = acc + jnp.where(m, contrib, 0.0)
                return acc
            return edge_body

        for ch in range(_NCH):
            gathers[2 * ch].wait()
            gathers[2 * ch + 1].wait()
            acc = lax.fori_loop(0, cvec // _UNROLL, make_edge_body(ch), acc)

        acc_v[...] = acc * (1.0 / n)

        pltpu.sync_copy(acc_v, shared.at[pl.ds(s * _LANES, _LANES)])
        plsc.subcore_barrier()

        @pl.when(s == 0)
        def _():
            pltpu.sync_copy(shared, red_v)

            def red_body(i, tot):
                return tot + red_v[pl.ds(i * _LANES, _LANES)]
            tot = lax.fori_loop(0, _NS, red_body,
                                jnp.zeros((_LANES,), jnp.float32))
            acc_v[...] = tot
            pltpu.sync_copy(acc_v,
                            out_hbm.at[pl.ds(c * _LANES, _LANES)])

    return sc_loss


def kernel(y_true, y_pred, src, dst, edge_index, edge_ids):
    n = y_true.shape[0]
    e = edge_index.shape[1]
    g = _NW * _NCH * _UNROLL * _LANES
    npad = -(-n // g) * g
    chunk = npad // _NW
    pack = ((jax.lax.bitcast_convert_type(y_pred.astype(jnp.float32),
                                          jnp.int32) & -8)
            | y_true.astype(jnp.int32))
    eflat = (edge_index.astype(jnp.int32)
             .reshape(2, e // 128, 128)
             .transpose(1, 0, 2)
             .reshape(-1))
    part = _build_sc_loss(n, e, chunk)(edge_ids.astype(jnp.int32), eflat,
                                       pack)
    return jnp.sum(part)

# --- scband reference (transcript-rebuilt; emitter-appended) ---
"""Pipeline reference for scband-switch-loss-28810640621648 (READ-ONLY COPY).

The authoritative reference and input builder live on the scoring server;
editing this copy changes nothing except your own understanding.
"""

import jax, jax.numpy as jnp
import numpy as np

N = 100000
E = 3200000


def setup_inputs(seed: int = 0) -> dict:
    key = jax.random.key(seed)
    ks = jax.random.split(key, 6)
    y_true = jax.random.randint(ks[0], (N,), 0, 5).astype(jnp.float32)
    y_pred = jax.random.normal(ks[1], (N,), dtype=jnp.float32)
    src = jax.random.randint(ks[2], (N,), 0, N).astype(jnp.int64) if jax.config.jax_enable_x64 else jax.random.randint(ks[2], (N,), 0, N)
    dst = jax.random.randint(ks[3], (N,), 0, N)
    edge_index = jax.random.randint(ks[4], (2, E), 0, N)
    edge_ids = jax.random.randint(ks[5], (N,), 0, E)
    return {"y_true": y_true, "y_pred": y_pred, "src": src, "dst": dst, "edge_index": edge_index, "edge_ids": edge_ids}


def reference(y_true, y_pred, src, dst, edge_index, edge_ids):
    # Faithful to the torch module: src/dst args are ignored; src/dst are
    # re-derived from randomly sampled edge ids (here passed in as edge_ids
    # for determinism, mirroring torch.randint(0, num_edges, (n,))).
    lambda_1 = 1.0
    lambda_2 = 1.0
    lambda_3 = 1.0
    src_s = jnp.take(edge_index[0], edge_ids, axis=0)
    dst_s = jnp.take(edge_index[1], edge_ids, axis=0)
    y_true_i = jnp.take(y_true, src_s, axis=0)
    y_true_j = jnp.take(y_true, dst_s, axis=0)
    y_pred_i = jnp.take(y_pred, src_s, axis=0)
    y_pred_j = jnp.take(y_pred, dst_s, axis=0)
    indicator_same_label = (y_true_i == y_true_j).astype(jnp.float32)
    indicator_diff_label = (y_true_i != y_true_j).astype(jnp.float32)
    indicator_label_zero = (y_true == 0).astype(jnp.float32)
    margin = jnp.abs(y_true_i - y_true_j)
    term_same_label = indicator_same_label * (y_pred_i - y_pred_j) ** 2
    term_diff_label = indicator_diff_label * jnp.maximum(jnp.zeros_like(margin), margin - jnp.abs(y_pred_i - y_pred_j)) ** 2 * 10
    term_label_zero = indicator_label_zero * y_pred ** 2
    loss = lambda_1 * term_same_label.mean() + lambda_2 * term_diff_label.mean() + lambda_3 * term_label_zero.mean()
    return loss

if __name__ == "__main__":
    import jax
    _d = setup_inputs()
    print(jax.jit(kernel)(*tuple(_d.values())))

</pallas_src>

<mosaic_0001>
#map = affine_map<(d0, d1) -> (0)>
module attributes {stable_mosaic.version = 14 : i64} {
  func.func @sc_loss(%arg0: i32, %arg1: i32, %arg2: memref<100000xi32, #tpu.memory_space<hbm>>, %arg3: memref<6400000xi32, #tpu.memory_space<hbm>>, %arg4: memref<100000xi32, #tpu.memory_space<hbm>>, %arg5: memref<32xf32, #tpu.memory_space<hbm>>, %arg6: memref<100000xi32, #tpu.memory_space<vmem>>, %arg7: memref<1568xi32, #tpu.memory_space<vmem>>, %arg8: memref<1568xi32, #tpu.memory_space<vmem>>, %arg9: memref<1568xi32, #tpu.memory_space<vmem>>, %arg10: memref<1568xi32, #tpu.memory_space<vmem>>, %arg11: memref<1568xi32, #tpu.memory_space<vmem>>, %arg12: memref<1568xi32, #tpu.memory_space<vmem>>, %arg13: memref<1568xi32, #tpu.memory_space<vmem>>, %arg14: memref<1568xi32, #tpu.memory_space<vmem>>, %arg15: memref<16xf32, #tpu.memory_space<vmem>>, %arg16: memref<256xf32, #tpu.memory_space<vmem>>, %arg17: memref<256xf32, #tpu.memory_space<vmem_shared>>, %arg18: memref<!tpu.dma_semaphore, #tpu.memory_space<semaphore_mem>>, %arg19: memref<!tpu.dma_semaphore, #tpu.memory_space<semaphore_mem>>, %arg20: memref<!tpu.dma_semaphore, #tpu.memory_space<semaphore_mem>>) attributes {dimension_semantics = [#tpu.dimension_semantics<core_parallel>, #tpu.dimension_semantics<subcore_parallel>], iteration_bounds = array<i64: 2, 16>, scalar_prefetch = 0 : i64, scratch_operands = 15 : i64, tpu.core_type = #tpu.core_type<sc_vector_subcore>, window_params = [{transform_indices = #map}, {transform_indices = #map}, {transform_indices = #map}, {transform_indices = #map}]} {
    %mul3A = arith.constant 2 : i32
    %mul3A_0 = arith.muli %arg1, %mul3A : i32
    %add3A = arith.addi %mul3A_0, %arg0 : i32
    %mul3A_1 = arith.constant 3136 : i32
    %mul3A_2 = arith.muli %add3A, %mul3A_1 : i32
    %min3A = arith.constant 96864 : i32
    %min3A_3 = arith.minsi %mul3A_2, %min3A : i32
    tpu.enqueue_dma source(%arg4 : memref<100000xi32, #tpu.memory_space<hbm>>) target(%arg6 : memref<100000xi32, #tpu.memory_space<vmem>>) target_semaphore(%arg18 : memref<!tpu.dma_semaphore, #tpu.memory_space<semaphore_mem>>)
    %add3A_4 = arith.constant 0 : i32
    %add3A_5 = arith.addi %min3A_3, %add3A_4 : i32
    %dma_start3A = tpu.memref_slice %arg2[%add3A_5] : memref<100000xi32, #tpu.memory_space<hbm>> -> memref<1568xi32, #tpu.memory_space<hbm>>
    %dma_start3A_6 = tpu.memref_slice %arg2[%add3A_5] : memref<100000xi32, #tpu.memory_space<hbm>> -> memref<1568xi32, #tpu.memory_space<hbm>>
    tpu.enqueue_dma source(%dma_start3A_6 : memref<1568xi32, #tpu.memory_space<hbm>>) target(%arg7 : memref<1568xi32, #tpu.memory_space<vmem>>) target_semaphore(%arg19 : memref<!tpu.dma_semaphore, #tpu.memory_space<semaphore_mem>>)
    %add3A_7 = arith.constant 1568 : i32
    %add3A_8 = arith.addi %min3A_3, %add3A_7 : i32
    %dma_start3A_9 = tpu.memref_slice %arg2[%add3A_8] : memref<100000xi32, #tpu.memory_space<hbm>> -> memref<1568xi32, #tpu.memory_space<hbm>>
    %dma_start3A_10 = tpu.memref_slice %arg2[%add3A_8] : memref<100000xi32, #tpu.memory_space<hbm>> -> memref<1568xi32, #tpu.memory_space<hbm>>
    tpu.enqueue_dma source(%dma_start3A_10 : memref<1568xi32, #tpu.memory_space<hbm>>) target(%arg11 : memref<1568xi32, #tpu.memory_space<vmem>>) target_semaphore(%arg19 : memref<!tpu.dma_semaphore, #tpu.memory_space<semaphore_mem>>)
    %iota3A = tpu.iota {dimensions = array<i32: 0>} : vector<16xi32>
    %dma_wait3A = tpu.memref_slice %arg2[%add3A_5] : memref<100000xi32, #tpu.memory_space<hbm>> -> memref<1568xi32, #tpu.memory_space<hbm>>
    %dma_wait3A_11 = tpu.memref_slice %arg2[%add3A_5] : memref<100000xi32, #tpu.memory_space<hbm>> -> memref<1568xi32, #tpu.memory_space<hbm>>
    tpu.wait_dma2 semaphore(%arg19 : memref<!tpu.dma_semaphore, #tpu.memory_space<semaphore_mem>>) src(%dma_wait3A_11 : memref<1568xi32, #tpu.memory_space<hbm>>) dst(%arg7 : memref<1568xi32, #tpu.memory_space<vmem>>)
    %scan3A = arith.constant 0 : i32
    %scan3A_12 = arith.constant 0 : i32
    %scan3A_13 = arith.constant 49 : i32
    %scan3A_14 = arith.addi %scan3A_12, %scan3A_13 : i32
    %scan3A_15 = arith.constant 1 : i32
    scf.for %scan3A_68 = %scan3A_12 to %scan3A_14 step %scan3A_15  : i32 {
      %mul3A_69 = arith.constant 32 : i32
      %mul3A_70 = arith.muli %scan3A_68, %mul3A_69 : i32
      %add3A_71 = arith.constant 0 : i32
      %add3A_72 = arith.addi %mul3A_70, %add3A_71 : i32
      %get3A = arith.index_cast %add3A_72 : i32 to index
      %get3A_73 = tpu.vector_load %arg7[%get3A] {strides = array<i32>} : memref<1568xi32, #tpu.memory_space<vmem>>, vector<16xi32>,
      %and3A = arith.constant -128 : i32
      %and3A_74 = vector.broadcast %and3A : i32 to vector<16xi32>
      %and3A_75 = arith.andi %get3A_73, %and3A_74 : vector<16xi32>
      %add3A_76 = arith.addi %get3A_73, %and3A_75 : vector<16xi32>
      %swap3A_77 = arith.index_cast %add3A_72 : i32 to index
      %swap3A_78 = tpu.vector_load %arg7[%swap3A_77] {strides = array<i32>} : memref<1568xi32, #tpu.memory_space<vmem>>, vector<16xi32>,
      tpu.vector_store %arg7[%swap3A_77], %add3A_76 {strides = array<i32>} : memref<1568xi32, #tpu.memory_space<vmem>>, vector<16xi32>,
      %add3A_79 = arith.constant 128 : i32
      %add3A_80 = vector.broadcast %add3A_79 : i32 to vector<16xi32>
      %add3A_81 = arith.addi %add3A_76, %add3A_80 : vector<16xi32>
      %swap3A_82 = arith.index_cast %add3A_72 : i32 to index
      %swap3A_83 = tpu.vector_load %arg8[%swap3A_82] {strides = array<i32>} : memref<1568xi32, #tpu.memory_space<vmem>>, vector<16xi32>,
      tpu.vector_store %arg8[%swap3A_82], %add3A_81 {strides = array<i32>} : memref<1568xi32, #tpu.memory_space<vmem>>, vector<16xi32>,
      %add3A_84 = arith.constant 16 : i32
      %add3A_85 = arith.addi %mul3A_70, %add3A_84 : i32
      %get3A_86 = arith.index_cast %add3A_85 : i32 to index
      %get3A_87 = tpu.vector_load %arg7[%get3A_86] {strides = array<i32>} : memref<1568xi32, #tpu.memory_space<vmem>>, vector<16xi32>,
      %and3A_88 = arith.constant -128 : i32
      %and3A_89 = vector.broadcast %and3A_88 : i32 to vector<16xi32>
      %and3A_90 = arith.andi %get3A_87, %and3A_89 : vector<16xi32>
      %add3A_91 = arith.addi %get3A_87, %and3A_90 : vector<16xi32>
      %swap3A_92 = arith.index_cast %add3A_85 : i32 to index
      %swap3A_93 = tpu.vector_load %arg7[%swap3A_92] {strides = array<i32>} : memref<1568xi32, #tpu.memory_space<vmem>>, vector<16xi32>,
      tpu.vector_store %arg7[%swap3A_92], %add3A_91 {strides = array<i32>} : memref<1568xi32, #tpu.memory_space<vmem>>, vector<16xi32>,
      %add3A_94 = arith.constant 128 : i32
      %add3A_95 = vector.broadcast %add3A_94 : i32 to vector<16xi32>
      %add3A_96 = arith.addi %add3A_91, %add3A_95 : vector<16xi32>
      %swap3A_97 = arith.index_cast %add3A_85 : i32 to index
      %swap3A_98 = tpu.vector_load %arg8[%swap3A_97] {strides = array<i32>} : memref<1568xi32, #tpu.memory_space<vmem>>, vector<16xi32>,
      tpu.vector_store %arg8[%swap3A_97], %add3A_96 {strides = array<i32>} : memref<1568xi32, #tpu.memory_space<vmem>>, vector<16xi32>,
    }
    %scan3A_16 = arith.constant 49 : i32
    %dma_start3A_17 = arith.constant 0 : i32
    %dma_start3A_18 = tpu.memref_slice %arg3[%dma_start3A_17] : memref<6400000xi32, #tpu.memory_space<hbm>> -> memref<6400000xi32, #tpu.memory_space<hbm>>
    tpu.enqueue_indirect_dma source(%dma_start3A_18 : memref<6400000xi32, #tpu.memory_space<hbm>>) target(%arg9 : memref<1568xi32, #tpu.memory_space<vmem>>) offsets(%arg7 : memref<1568xi32, #tpu.memory_space<vmem>>) semaphore(%arg20 : memref<!tpu.dma_semaphore, #tpu.memory_space<semaphore_mem>>)
    %dma_start3A_19 = arith.constant 0 : i32
    %dma_start3A_20 = tpu.memref_slice %arg3[%dma_start3A_19] : memref<6400000xi32, #tpu.memory_space<hbm>> -> memref<6400000xi32, #tpu.memory_space<hbm>>
    tpu.enqueue_indirect_dma source(%dma_start3A_20 : memref<6400000xi32, #tpu.memory_space<hbm>>) target(%arg10 : memref<1568xi32, #tpu.memory_space<vmem>>) offsets(%arg8 : memref<1568xi32, #tpu.memory_space<vmem>>) semaphore(%arg20 : memref<!tpu.dma_semaphore, #tpu.memory_space<semaphore_mem>>)
    %dma_wait3A_21 = tpu.memref_slice %arg2[%add3A_8] : memref<100000xi32, #tpu.memory_space<hbm>> -> memref<1568xi32, #tpu.memory_space<hbm>>
    %dma_wait3A_22 = tpu.memref_slice %arg2[%add3A_8] : memref<100000xi32, #tpu.memory_space<hbm>> -> memref<1568xi32, #tpu.memory_space<hbm>>
    tpu.wait_dma2 semaphore(%arg19 : memref<!tpu.dma_semaphore, #tpu.memory_space<semaphore_mem>>) src(%dma_wait3A_22 : memref<1568xi32, #tpu.memory_space<hbm>>) dst(%arg11 : memref<1568xi32, #tpu.memory_space<vmem>>)
    %scan3A_23 = arith.constant 0 : i32
    %scan3A_24 = arith.constant 0 : i32
    %scan3A_25 = arith.constant 49 : i32
    %scan3A_26 = arith.addi %scan3A_24, %scan3A_25 : i32
    %scan3A_27 = arith.constant 1 : i32
    scf.for %scan3A_68 = %scan3A_24 to %scan3A_26 step %scan3A_27  : i32 {
      %mul3A_69 = arith.constant 32 : i32
      %mul3A_70 = arith.muli %scan3A_68, %mul3A_69 : i32
      %add3A_71 = arith.constant 0 : i32
      %add3A_72 = arith.addi %mul3A_70, %add3A_71 : i32
      %get3A = arith.index_cast %add3A_72 : i32 to index
      %get3A_73 = tpu.vector_load %arg11[%get3A] {strides = array<i32>} : memref<1568xi32, #tpu.memory_space<vmem>>, vector<16xi32>,
      %and3A = arith.constant -128 : i32
      %and3A_74 = vector.broadcast %and3A : i32 to vector<16xi32>
      %and3A_75 = arith.andi %get3A_73, %and3A_74 : vector<16xi32>
      %add3A_76 = arith.addi %get3A_73, %and3A_75 : vector<16xi32>
      %swap3A_77 = arith.index_cast %add3A_72 : i32 to index
      %swap3A_78 = tpu.vector_load %arg11[%swap3A_77] {strides = array<i32>} : memref<1568xi32, #tpu.memory_space<vmem>>, vector<16xi32>,
      tpu.vector_store %arg11[%swap3A_77], %add3A_76 {strides = array<i32>} : memref<1568xi32, #tpu.memory_space<vmem>>, vector<16xi32>,
      %add3A_79 = arith.constant 128 : i32
      %add3A_80 = vector.broadcast %add3A_79 : i32 to vector<16xi32>
      %add3A_81 = arith.addi %add3A_76, %add3A_80 : vector<16xi32>
      %swap3A_82 = arith.index_cast %add3A_72 : i32 to index
      %swap3A_83 = tpu.vector_load %arg12[%swap3A_82] {strides = array<i32>} : memref<1568xi32, #tpu.memory_space<vmem>>, vector<16xi32>,
      tpu.vector_store %arg12[%swap3A_82], %add3A_81 {strides = array<i32>} : memref<1568xi32, #tpu.memory_space<vmem>>, vector<16xi32>,
      %add3A_84 = arith.constant 16 : i32
      %add3A_85 = arith.addi %mul3A_70, %add3A_84 : i32
      %get3A_86 = arith.index_cast %add3A_85 : i32 to index
      %get3A_87 = tpu.vector_load %arg11[%get3A_86] {strides = array<i32>} : memref<1568xi32, #tpu.memory_space<vmem>>, vector<16xi32>,
      %and3A_88 = arith.constant -128 : i32
      %and3A_89 = vector.broadcast %and3A_88 : i32 to vector<16xi32>
      %and3A_90 = arith.andi %get3A_87, %and3A_89 : vector<16xi32>
      %add3A_91 = arith.addi %get3A_87, %and3A_90 : vector<16xi32>
      %swap3A_92 = arith.index_cast %add3A_85 : i32 to index
      %swap3A_93 = tpu.vector_load %arg11[%swap3A_92] {strides = array<i32>} : memref<1568xi32, #tpu.memory_space<vmem>>, vector<16xi32>,
      tpu.vector_store %arg11[%swap3A_92], %add3A_91 {strides = array<i32>} : memref<1568xi32, #tpu.memory_space<vmem>>, vector<16xi32>,
      %add3A_94 = arith.constant 128 : i32
      %add3A_95 = vector.broadcast %add3A_94 : i32 to vector<16xi32>
      %add3A_96 = arith.addi %add3A_91, %add3A_95 : vector<16xi32>
      %swap3A_97 = arith.index_cast %add3A_85 : i32 to index
      %swap3A_98 = tpu.vector_load %arg12[%swap3A_97] {strides = array<i32>} : memref<1568xi32, #tpu.memory_space<vmem>>, vector<16xi32>,
      tpu.vector_store %arg12[%swap3A_97], %add3A_96 {strides = array<i32>} : memref<1568xi32, #tpu.memory_space<vmem>>, vector<16xi32>,
    }
    %scan3A_28 = arith.constant 49 : i32
    %dma_start3A_29 = arith.constant 0 : i32
    %dma_start3A_30 = tpu.memref_slice %arg3[%dma_start3A_29] : memref<6400000xi32, #tpu.memory_space<hbm>> -> memref<6400000xi32, #tpu.memory_space<hbm>>
    tpu.enqueue_indirect_dma source(%dma_start3A_30 : memref<6400000xi32, #tpu.memory_space<hbm>>) target(%arg13 : memref<1568xi32, #tpu.memory_space<vmem>>) offsets(%arg11 : memref<1568xi32, #tpu.memory_space<vmem>>) semaphore(%arg20 : memref<!tpu.dma_semaphore, #tpu.memory_space<semaphore_mem>>)
    %dma_start3A_31 = arith.constant 0 : i32
    %dma_start3A_32 = tpu.memref_slice %arg3[%dma_start3A_31] : memref<6400000xi32, #tpu.memory_space<hbm>> -> memref<6400000xi32, #tpu.memory_space<hbm>>
    tpu.enqueue_indirect_dma source(%dma_start3A_32 : memref<6400000xi32, #tpu.memory_space<hbm>>) target(%arg14 : memref<1568xi32, #tpu.memory_space<vmem>>) offsets(%arg12 : memref<1568xi32, #tpu.memory_space<vmem>>) semaphore(%arg20 : memref<!tpu.dma_semaphore, #tpu.memory_space<semaphore_mem>>)
    tpu.wait_dma2 semaphore(%arg18 : memref<!tpu.dma_semaphore, #tpu.memory_space<semaphore_mem>>) src(%arg4 : memref<100000xi32, #tpu.memory_space<hbm>>) dst(%arg6 : memref<100000xi32, #tpu.memory_space<vmem>>)
    %broadcast_in_dim3A = arith.constant 0.000000e+00 : f32
    %broadcast_in_dim3A_33 = vector.broadcast %broadcast_in_dim3A : f32 to vector<16xf32>
    %scan3A_34 = arith.constant 0 : i32
    %scan3A_35 = arith.constant 98 : i32
    %scan3A_36 = arith.addi %scan3A_34, %scan3A_35 : i32
    %scan3A_37 = arith.constant 1 : i32
    %scan3A_38 = scf.for %scan3A_68 = %scan3A_34 to %scan3A_36 step %scan3A_37 iter_args(%scan3A_69 = %broadcast_in_dim3A_33) -> (vector<16xf32>)  : i32 {
      %mul3A_70 = arith.constant 32 : i32
      %mul3A_71 = arith.muli %scan3A_68, %mul3A_70 : i32
      %add3A_72 = arith.constant 0 : i32
      %add3A_73 = arith.addi %mul3A_71, %add3A_72 : i32
      %add3A_74 = arith.addi %min3A_3, %add3A_73 : i32
      %get3A = arith.index_cast %add3A_74 : i32 to index
      %get3A_75 = tpu.vector_load %arg6[%get3A] {strides = array<i32>} : memref<100000xi32, #tpu.memory_space<vmem>>, vector<16xi32>,
      %and3A = arith.constant -8 : i32
      %and3A_76 = vector.broadcast %and3A : i32 to vector<16xi32>
      %and3A_77 = arith.andi %get3A_75, %and3A_76 : vector<16xi32>
      %bitcast_convert_type3A = tpu.bitcast %and3A_77 : vector<16xi32> -> vector<16xf32>
      %add3A_78 = arith.addi %min3A_3, %add3A_73 : i32
      %add3A_79 = vector.broadcast %add3A_78 : i32 to vector<16xi32>
      %add3A_80 = arith.addi %add3A_79, %iota3A : vector<16xi32>
      %and3A_81 = arith.constant 7 : i32
      %and3A_82 = vector.broadcast %and3A_81 : i32 to vector<16xi32>
      %and3A_83 = arith.andi %get3A_75, %and3A_82 : vector<16xi32>
      %eq3A_84 = arith.constant 0 : i32
      %eq3A_85 = vector.broadcast %eq3A_84 : i32 to vector<16xi32>
      %eq3A_86 = arith.cmpi eq, %and3A_83, %eq3A_85 : vector<16xi32>
      %ge3A = vector.broadcast %mul3A_2 : i32 to vector<16xi32>
      %ge3A_87 = arith.cmpi sge, %add3A_80, %ge3A : vector<16xi32>
      %and3A_88 = arith.andi %eq3A_86, %ge3A_87 : vector<16xi1>
      %lt3A = arith.constant 100000 : i32
      %lt3A_89 = vector.broadcast %lt3A : i32 to vector<16xi32>
      %lt3A_90 = arith.cmpi slt, %add3A_80, %lt3A_89 : vector<16xi32>
      %and3A_91 = arith.andi %and3A_88, %lt3A_90 : vector<16xi1>
      %mul3A_92 = arith.mulf %bitcast_convert_type3A, %bitcast_convert_type3A : vector<16xf32>
      %jit3A = arith.constant 0.000000e+00 : f32
      %broadcast_in_dim3A_93 = vector.broadcast %jit3A : f32 to vector<16xf32>
      %select_n3A = arith.select %and3A_91, %mul3A_92, %broadcast_in_dim3A_93 : vector<16xi1>, vector<16xf32>
      %add3A_94 = arith.addf %scan3A_69, %select_n3A : vector<16xf32>
      %add3A_95 = arith.constant 16 : i32
      %add3A_96 = arith.addi %mul3A_71, %add3A_95 : i32
      %add3A_97 = arith.addi %min3A_3, %add3A_96 : i32
      %get3A_98 = arith.index_cast %add3A_97 : i32 to index
      %get3A_99 = tpu.vector_load %arg6[%get3A_98] {strides = array<i32>} : memref<100000xi32, #tpu.memory_space<vmem>>, vector<16xi32>,
      %and3A_100 = arith.constant -8 : i32
      %and3A_101 = vector.broadcast %and3A_100 : i32 to vector<16xi32>
      %and3A_102 = arith.andi %get3A_99, %and3A_101 : vector<16xi32>
      %bitcast_convert_type3A_103 = tpu.bitcast %and3A_102 : vector<16xi32> -> vector<16xf32>
      %add3A_104 = arith.addi %min3A_3, %add3A_96 : i32
      %add3A_105 = vector.broadcast %add3A_104 : i32 to vector<16xi32>
      %add3A_106 = arith.addi %add3A_105, %iota3A : vector<16xi32>
      %and3A_107 = arith.constant 7 : i32
      %and3A_108 = vector.broadcast %and3A_107 : i32 to vector<16xi32>
      %and3A_109 = arith.andi %get3A_99, %and3A_108 : vector<16xi32>
      %eq3A_110 = arith.constant 0 : i32
      %eq3A_111 = vector.broadcast %eq3A_110 : i32 to vector<16xi32>
      %eq3A_112 = arith.cmpi eq, %and3A_109, %eq3A_111 : vector<16xi32>
      %ge3A_113 = vector.broadcast %mul3A_2 : i32 to vector<16xi32>
      %ge3A_114 = arith.cmpi sge, %add3A_106, %ge3A_113 : vector<16xi32>
      %and3A_115 = arith.andi %eq3A_112, %ge3A_114 : vector<16xi1>
      %lt3A_116 = arith.constant 100000 : i32
      %lt3A_117 = vector.broadcast %lt3A_116 : i32 to vector<16xi32>
      %lt3A_118 = arith.cmpi slt, %add3A_106, %lt3A_117 : vector<16xi32>
      %and3A_119 = arith.andi %and3A_115, %lt3A_118 : vector<16xi1>
      %mul3A_120 = arith.mulf %bitcast_convert_type3A_103, %bitcast_convert_type3A_103 : vector<16xf32>
      %jit3A_121 = arith.constant 0.000000e+00 : f32
      %broadcast_in_dim3A_122 = vector.broadcast %jit3A_121 : f32 to vector<16xf32>
      %select_n3A_123 = arith.select %and3A_119, %mul3A_120, %broadcast_in_dim3A_122 : vector<16xi1>, vector<16xf32>
      %add3A_124 = arith.addf %add3A_94, %select_n3A_123 : vector<16xf32>
      scf.yield %add3A_124 : vector<16xf32>
    }
    %scan3A_39 = arith.constant 98 : i32
    %dma_wait3A_40 = arith.constant 0 : i32
    %dma_wait3A_41 = tpu.memref_slice %arg3[%dma_wait3A_40] : memref<6400000xi32, #tpu.memory_space<hbm>> -> memref<6400000xi32, #tpu.memory_space<hbm>>
    tpu.wait_indirect_dma semaphore(%arg20 : memref<!tpu.dma_semaphore, #tpu.memory_space<semaphore_mem>>) src(%dma_wait3A_41 : memref<6400000xi32, #tpu.memory_space<hbm>>) dst(%arg9 : memref<1568xi32, #tpu.memory_space<vmem>>)
    %dma_wait3A_42 = arith.constant 0 : i32
    %dma_wait3A_43 = tpu.memref_slice %arg3[%dma_wait3A_42] : memref<6400000xi32, #tpu.memory_space<hbm>> -> memref<6400000xi32, #tpu.memory_space<hbm>>
    tpu.wait_indirect_dma semaphore(%arg20 : memref<!tpu.dma_semaphore, #tpu.memory_space<semaphore_mem>>) src(%dma_wait3A_43 : memref<6400000xi32, #tpu.memory_space<hbm>>) dst(%arg10 : memref<1568xi32, #tpu.memory_space<vmem>>)
    %scan3A_44 = arith.constant 0 : i32
    %scan3A_45 = arith.constant 49 : i32
    %scan3A_46 = arith.addi %scan3A_44, %scan3A_45 : i32
    %scan3A_47 = arith.constant 1 : i32
    %scan3A_48 = scf.for %scan3A_68 = %scan3A_44 to %scan3A_46 step %scan3A_47 iter_args(%scan3A_69 = %scan3A_38) -> (vector<16xf32>)  : i32 {
      %mul3A_70 = arith.constant 32 : i32
      %mul3A_71 = arith.muli %scan3A_68, %mul3A_70 : i32
      %add3A_72 = arith.constant 0 : i32
      %add3A_73 = arith.addi %mul3A_71, %add3A_72 : i32
      %get3A = arith.index_cast %add3A_73 : i32 to index
      %get3A_74 = tpu.vector_load %arg9[%get3A] {strides = array<i32>} : memref<1568xi32, #tpu.memory_space<vmem>>, vector<16xi32>,
      %get3A_75 = arith.index_cast %add3A_73 : i32 to index
      %get3A_76 = tpu.vector_load %arg10[%get3A_75] {strides = array<i32>} : memref<1568xi32, #tpu.memory_space<vmem>>, vector<16xi32>,
      %gather3A = tpu.vector_load_idx %arg6[%get3A_74] : memref<100000xi32, #tpu.memory_space<vmem>>[vector<16xi32>], vector<16xi32>,
      %gather3A_77 = tpu.vector_load_idx %arg6[%get3A_76] : memref<100000xi32, #tpu.memory_space<vmem>>[vector<16xi32>], vector<16xi32>,
      %and3A = arith.constant 7 : i32
      %and3A_78 = vector.broadcast %and3A : i32 to vector<16xi32>
      %and3A_79 = arith.andi %gather3A, %and3A_78 : vector<16xi32>
      %and3A_80 = arith.constant 7 : i32
      %and3A_81 = vector.broadcast %and3A_80 : i32 to vector<16xi32>
      %and3A_82 = arith.andi %gather3A_77, %and3A_81 : vector<16xi32>
      %and3A_83 = arith.constant -8 : i32
      %and3A_84 = vector.broadcast %and3A_83 : i32 to vector<16xi32>
      %and3A_85 = arith.andi %gather3A, %and3A_84 : vector<16xi32>
      %bitcast_convert_type3A = tpu.bitcast %and3A_85 : vector<16xi32> -> vector<16xf32>
      %and3A_86 = arith.constant -8 : i32
      %and3A_87 = vector.broadcast %and3A_86 : i32 to vector<16xi32>
      %and3A_88 = arith.andi %gather3A_77, %and3A_87 : vector<16xi32>
      %bitcast_convert_type3A_89 = tpu.bitcast %and3A_88 : vector<16xi32> -> vector<16xf32>
      %sub3A = arith.subf %bitcast_convert_type3A, %bitcast_convert_type3A_89 : vector<16xf32>
      %sub3A_90 = arith.subi %and3A_79, %and3A_82 : vector<16xi32>
      %abs3A = math.absi %sub3A_90 : vector<16xi32>
      %convert_element_type3A_91 = arith.sitofp %abs3A : vector<16xi32> to vector<16xf32>
      %abs3A_92 = math.absf %sub3A : vector<16xf32>
      %sub3A_93 = arith.subf %convert_element_type3A_91, %abs3A_92 : vector<16xf32>
      %max3A = arith.constant 0.000000e+00 : f32
      %max3A_94 = vector.broadcast %max3A : f32 to vector<16xf32>
      %max3A_95 = arith.maximumf %sub3A_93, %max3A_94 : vector<16xf32>
      %eq3A_96 = arith.cmpi eq, %and3A_79, %and3A_82 : vector<16xi32>
      %mul3A_97 = arith.mulf %sub3A, %sub3A : vector<16xf32>
      %mul3A_98 = arith.constant 1.000000e+01 : f32
      %mul3A_99 = vector.broadcast %mul3A_98 : f32 to vector<16xf32>
      %mul3A_100 = arith.mulf %mul3A_99, %max3A_95 : vector<16xf32>
      %mul3A_101 = arith.mulf %mul3A_100, %max3A_95 : vector<16xf32>
      %select_n3A = arith.select %eq3A_96, %mul3A_97, %mul3A_101 : vector<16xi1>, vector<16xf32>
      %add3A_102 = arith.constant 0 : i32
      %add3A_103 = arith.addi %min3A_3, %add3A_102 : i32
      %add3A_104 = arith.addi %add3A_103, %add3A_73 : i32
      %add3A_105 = vector.broadcast %add3A_104 : i32 to vector<16xi32>
      %add3A_106 = arith.addi %add3A_105, %iota3A : vector<16xi32>
      %ge3A = vector.broadcast %mul3A_2 : i32 to vector<16xi32>
      %ge3A_107 = arith.cmpi sge, %add3A_106, %ge3A : vector<16xi32>
      %lt3A = arith.constant 100000 : i32
      %lt3A_108 = vector.broadcast %lt3A : i32 to vector<16xi32>
      %lt3A_109 = arith.cmpi slt, %add3A_106, %lt3A_108 : vector<16xi32>
      %and3A_110 = arith.andi %ge3A_107, %lt3A_109 : vector<16xi1>
      %jit3A = arith.constant 0.000000e+00 : f32
      %broadcast_in_dim3A_111 = vector.broadcast %jit3A : f32 to vector<16xf32>
      %select_n3A_112 = arith.select %and3A_110, %select_n3A, %broadcast_in_dim3A_111 : vector<16xi1>, vector<16xf32>
      %add3A_113 = arith.addf %scan3A_69, %select_n3A_112 : vector<16xf32>
      %add3A_114 = arith.constant 16 : i32
      %add3A_115 = arith.addi %mul3A_71, %add3A_114 : i32
      %get3A_116 = arith.index_cast %add3A_115 : i32 to index
      %get3A_117 = tpu.vector_load %arg9[%get3A_116] {strides = array<i32>} : memref<1568xi32, #tpu.memory_space<vmem>>, vector<16xi32>,
      %get3A_118 = arith.index_cast %add3A_115 : i32 to index
      %get3A_119 = tpu.vector_load %arg10[%get3A_118] {strides = array<i32>} : memref<1568xi32, #tpu.memory_space<vmem>>, vector<16xi32>,
      %gather3A_120 = tpu.vector_load_idx %arg6[%get3A_117] : memref<100000xi32, #tpu.memory_space<vmem>>[vector<16xi32>], vector<16xi32>,
      %gather3A_121 = tpu.vector_load_idx %arg6[%get3A_119] : memref<100000xi32, #tpu.memory_space<vmem>>[vector<16xi32>], vector<16xi32>,
      %and3A_122 = arith.constant 7 : i32
      %and3A_123 = vector.broadcast %and3A_122 : i32 to vector<16xi32>
      %and3A_124 = arith.andi %gather3A_120, %and3A_123 : vector<16xi32>
      %and3A_125 = arith.constant 7 : i32
      %and3A_126 = vector.broadcast %and3A_125 : i32 to vector<16xi32>
      %and3A_127 = arith.andi %gather3A_121, %and3A_126 : vector<16xi32>
      %and3A_128 = arith.constant -8 : i32
      %and3A_129 = vector.broadcast %and3A_128 : i32 to vector<16xi32>
      %and3A_130 = arith.andi %gather3A_120, %and3A_129 : vector<16xi32>
      %bitcast_convert_type3A_131 = tpu.bitcast %and3A_130 : vector<16xi32> -> vector<16xf32>
      %and3A_132 = arith.constant -8 : i32
      %and3A_133 = vector.broadcast %and3A_132 : i32 to vector<16xi32>
      %and3A_134 = arith.andi %gather3A_121, %and3A_133 : vector<16xi32>
      %bitcast_convert_type3A_135 = tpu.bitcast %and3A_134 : vector<16xi32> -> vector<16xf32>
      %sub3A_136 = arith.subf %bitcast_convert_type3A_131, %bitcast_convert_type3A_135 : vector<16xf32>
      %sub3A_137 = arith.subi %and3A_124, %and3A_127 : vector<16xi32>
      %abs3A_138 = math.absi %sub3A_137 : vector<16xi32>
      %convert_element_type3A_139 = arith.sitofp %abs3A_138 : vector<16xi32> to vector<16xf32>
      %abs3A_140 = math.absf %sub3A_136 : vector<16xf32>
      %sub3A_141 = arith.subf %convert_element_type3A_139, %abs3A_140 : vector<16xf32>
      %max3A_142 = arith.constant 0.000000e+00 : f32
      %max3A_143 = vector.broadcast %max3A_142 : f32 to vector<16xf32>
      %max3A_144 = arith.maximumf %sub3A_141, %max3A_143 : vector<16xf32>
      %eq3A_145 = arith.cmpi eq, %and3A_124, %and3A_127 : vector<16xi32>
      %mul3A_146 = arith.mulf %sub3A_136, %sub3A_136 : vector<16xf32>
      %mul3A_147 = arith.constant 1.000000e+01 : f32
      %mul3A_148 = vector.broadcast %mul3A_147 : f32 to vector<16xf32>
      %mul3A_149 = arith.mulf %mul3A_148, %max3A_144 : vector<16xf32>
      %mul3A_150 = arith.mulf %mul3A_149, %max3A_144 : vector<16xf32>
      %select_n3A_151 = arith.select %eq3A_145, %mul3A_146, %mul3A_150 : vector<16xi1>, vector<16xf32>
      %add3A_152 = arith.constant 0 : i32
      %add3A_153 = arith.addi %min3A_3, %add3A_152 : i32
      %add3A_154 = arith.addi %add3A_153, %add3A_115 : i32
      %add3A_155 = vector.broadcast %add3A_154 : i32 to vector<16xi32>
      %add3A_156 = arith.addi %add3A_155, %iota3A : vector<16xi32>
      %ge3A_157 = vector.broadcast %mul3A_2 : i32 to vector<16xi32>
      %ge3A_158 = arith.cmpi sge, %add3A_156, %ge3A_157 : vector<16xi32>
      %lt3A_159 = arith.constant 100000 : i32
      %lt3A_160 = vector.broadcast %lt3A_159 : i32 to vector<16xi32>
      %lt3A_161 = arith.cmpi slt, %add3A_156, %lt3A_160 : vector<16xi32>
      %and3A_162 = arith.andi %ge3A_158, %lt3A_161 : vector<16xi1>
      %jit3A_163 = arith.constant 0.000000e+00 : f32
      %broadcast_in_dim3A_164 = vector.broadcast %jit3A_163 : f32 to vector<16xf32>
      %select_n3A_165 = arith.select %and3A_162, %select_n3A_151, %broadcast_in_dim3A_164 : vector<16xi1>, vector<16xf32>
      %add3A_166 = arith.addf %add3A_113, %select_n3A_165 : vector<16xf32>
      scf.yield %add3A_166 : vector<16xf32>
    }
    %scan3A_49 = arith.constant 49 : i32
    %dma_wait3A_50 = arith.constant 0 : i32
    %dma_wait3A_51 = tpu.memref_slice %arg3[%dma_wait3A_50] : memref<6400000xi32, #tpu.memory_space<hbm>> -> memref<6400000xi32, #tpu.memory_space<hbm>>
    tpu.wait_indirect_dma semaphore(%arg20 : memref<!tpu.dma_semaphore, #tpu.memory_space<semaphore_mem>>) src(%dma_wait3A_51 : memref<6400000xi32, #tpu.memory_space<hbm>>) dst(%arg13 : memref<1568xi32, #tpu.memory_space<vmem>>)
    %dma_wait3A_52 = arith.constant 0 : i32
    %dma_wait3A_53 = tpu.memref_slice %arg3[%dma_wait3A_52] : memref<6400000xi32, #tpu.memory_space<hbm>> -> memref<6400000xi32, #tpu.memory_space<hbm>>
    tpu.wait_indirect_dma semaphore(%arg20 : memref<!tpu.dma_semaphore, #tpu.memory_space<semaphore_mem>>) src(%dma_wait3A_53 : memref<6400000xi32, #tpu.memory_space<hbm>>) dst(%arg14 : memref<1568xi32, #tpu.memory_space<vmem>>)
    %scan3A_54 = arith.constant 0 : i32
    %scan3A_55 = arith.constant 49 : i32
    %scan3A_56 = arith.addi %scan3A_54, %scan3A_55 : i32
    %scan3A_57 = arith.constant 1 : i32
    %scan3A_58 = scf.for %scan3A_68 = %scan3A_54 to %scan3A_56 step %scan3A_57 iter_args(%scan3A_69 = %scan3A_48) -> (vector<16xf32>)  : i32 {
      %mul3A_70 = arith.constant 32 : i32
      %mul3A_71 = arith.muli %scan3A_68, %mul3A_70 : i32
      %add3A_72 = arith.constant 0 : i32
      %add3A_73 = arith.addi %mul3A_71, %add3A_72 : i32
      %get3A = arith.index_cast %add3A_73 : i32 to index
      %get3A_74 = tpu.vector_load %arg13[%get3A] {strides = array<i32>} : memref<1568xi32, #tpu.memory_space<vmem>>, vector<16xi32>,
      %get3A_75 = arith.index_cast %add3A_73 : i32 to index
      %get3A_76 = tpu.vector_load %arg14[%get3A_75] {strides = array<i32>} : memref<1568xi32, #tpu.memory_space<vmem>>, vector<16xi32>,
      %gather3A = tpu.vector_load_idx %arg6[%get3A_74] : memref<100000xi32, #tpu.memory_space<vmem>>[vector<16xi32>], vector<16xi32>,
      %gather3A_77 = tpu.vector_load_idx %arg6[%get3A_76] : memref<100000xi32, #tpu.memory_space<vmem>>[vector<16xi32>], vector<16xi32>,
      %and3A = arith.constant 7 : i32
      %and3A_78 = vector.broadcast %and3A : i32 to vector<16xi32>
      %and3A_79 = arith.andi %gather3A, %and3A_78 : vector<16xi32>
      %and3A_80 = arith.constant 7 : i32
      %and3A_81 = vector.broadcast %and3A_80 : i32 to vector<16xi32>
      %and3A_82 = arith.andi %gather3A_77, %and3A_81 : vector<16xi32>
      %and3A_83 = arith.constant -8 : i32
      %and3A_84 = vector.broadcast %and3A_83 : i32 to vector<16xi32>
      %and3A_85 = arith.andi %gather3A, %and3A_84 : vector<16xi32>
      %bitcast_convert_type3A = tpu.bitcast %and3A_85 : vector<16xi32> -> vector<16xf32>
      %and3A_86 = arith.constant -8 : i32
      %and3A_87 = vector.broadcast %and3A_86 : i32 to vector<16xi32>
      %and3A_88 = arith.andi %gather3A_77, %and3A_87 : vector<16xi32>
      %bitcast_convert_type3A_89 = tpu.bitcast %and3A_88 : vector<16xi32> -> vector<16xf32>
      %sub3A = arith.subf %bitcast_convert_type3A, %bitcast_convert_type3A_89 : vector<16xf32>
      %sub3A_90 = arith.subi %and3A_79, %and3A_82 : vector<16xi32>
      %abs3A = math.absi %sub3A_90 : vector<16xi32>
      %convert_element_type3A_91 = arith.sitofp %abs3A : vector<16xi32> to vector<16xf32>
      %abs3A_92 = math.absf %sub3A : vector<16xf32>
      %sub3A_93 = arith.subf %convert_element_type3A_91, %abs3A_92 : vector<16xf32>
      %max3A = arith.constant 0.000000e+00 : f32
      %max3A_94 = vector.broadcast %max3A : f32 to vector<16xf32>
      %max3A_95 = arith.maximumf %sub3A_93, %max3A_94 : vector<16xf32>
      %eq3A_96 = arith.cmpi eq, %and3A_79, %and3A_82 : vector<16xi32>
      %mul3A_97 = arith.mulf %sub3A, %sub3A : vector<16xf32>
      %mul3A_98 = arith.constant 1.000000e+01 : f32
      %mul3A_99 = vector.broadcast %mul3A_98 : f32 to vector<16xf32>
      %mul3A_100 = arith.mulf %mul3A_99, %max3A_95 : vector<16xf32>
      %mul3A_101 = arith.mulf %mul3A_100, %max3A_95 : vector<16xf32>
      %select_n3A = arith.select %eq3A_96, %mul3A_97, %mul3A_101 : vector<16xi1>, vector<16xf32>
      %add3A_102 = arith.constant 1568 : i32
      %add3A_103 = arith.addi %min3A_3, %add3A_102 : i32
      %add3A_104 = arith.addi %add3A_103, %add3A_73 : i32
      %add3A_105 = vector.broadcast %add3A_104 : i32 to vector<16xi32>
      %add3A_106 = arith.addi %add3A_105, %iota3A : vector<16xi32>
      %ge3A = vector.broadcast %mul3A_2 : i32 to vector<16xi32>
      %ge3A_107 = arith.cmpi sge, %add3A_106, %ge3A : vector<16xi32>
      %lt3A = arith.constant 100000 : i32
      %lt3A_108 = vector.broadcast %lt3A : i32 to vector<16xi32>
      %lt3A_109 = arith.cmpi slt, %add3A_106, %lt3A_108 : vector<16xi32>
      %and3A_110 = arith.andi %ge3A_107, %lt3A_109 : vector<16xi1>
      %jit3A = arith.constant 0.000000e+00 : f32
      %broadcast_in_dim3A_111 = vector.broadcast %jit3A : f32 to vector<16xf32>
      %select_n3A_112 = arith.select %and3A_110, %select_n3A, %broadcast_in_dim3A_111 : vector<16xi1>, vector<16xf32>
      %add3A_113 = arith.addf %scan3A_69, %select_n3A_112 : vector<16xf32>
      %add3A_114 = arith.constant 16 : i32
      %add3A_115 = arith.addi %mul3A_71, %add3A_114 : i32
      %get3A_116 = arith.index_cast %add3A_115 : i32 to index
      %get3A_117 = tpu.vector_load %arg13[%get3A_116] {strides = array<i32>} : memref<1568xi32, #tpu.memory_space<vmem>>, vector<16xi32>,
      %get3A_118 = arith.index_cast %add3A_115 : i32 to index
      %get3A_119 = tpu.vector_load %arg14[%get3A_118] {strides = array<i32>} : memref<1568xi32, #tpu.memory_space<vmem>>, vector<16xi32>,
      %gather3A_120 = tpu.vector_load_idx %arg6[%get3A_117] : memref<100000xi32, #tpu.memory_space<vmem>>[vector<16xi32>], vector<16xi32>,
      %gather3A_121 = tpu.vector_load_idx %arg6[%get3A_119] : memref<100000xi32, #tpu.memory_space<vmem>>[vector<16xi32>], vector<16xi32>,
      %and3A_122 = arith.constant 7 : i32
      %and3A_123 = vector.broadcast %and3A_122 : i32 to vector<16xi32>
      %and3A_124 = arith.andi %gather3A_120, %and3A_123 : vector<16xi32>
      %and3A_125 = arith.constant 7 : i32
      %and3A_126 = vector.broadcast %and3A_125 : i32 to vector<16xi32>
      %and3A_127 = arith.andi %gather3A_121, %and3A_126 : vector<16xi32>
      %and3A_128 = arith.constant -8 : i32
      %and3A_129 = vector.broadcast %and3A_128 : i32 to vector<16xi32>
      %and3A_130 = arith.andi %gather3A_120, %and3A_129 : vector<16xi32>
      %bitcast_convert_type3A_131 = tpu.bitcast %and3A_130 : vector<16xi32> -> vector<16xf32>
      %and3A_132 = arith.constant -8 : i32
      %and3A_133 = vector.broadcast %and3A_132 : i32 to vector<16xi32>
      %and3A_134 = arith.andi %gather3A_121, %and3A_133 : vector<16xi32>
      %bitcast_convert_type3A_135 = tpu.bitcast %and3A_134 : vector<16xi32> -> vector<16xf32>
      %sub3A_136 = arith.subf %bitcast_convert_type3A_131, %bitcast_convert_type3A_135 : vector<16xf32>
      %sub3A_137 = arith.subi %and3A_124, %and3A_127 : vector<16xi32>
      %abs3A_138 = math.absi %sub3A_137 : vector<16xi32>
      %convert_element_type3A_139 = arith.sitofp %abs3A_138 : vector<16xi32> to vector<16xf32>
      %abs3A_140 = math.absf %sub3A_136 : vector<16xf32>
      %sub3A_141 = arith.subf %convert_element_type3A_139, %abs3A_140 : vector<16xf32>
      %max3A_142 = arith.constant 0.000000e+00 : f32
      %max3A_143 = vector.broadcast %max3A_142 : f32 to vector<16xf32>
      %max3A_144 = arith.maximumf %sub3A_141, %max3A_143 : vector<16xf32>
      %eq3A_145 = arith.cmpi eq, %and3A_124, %and3A_127 : vector<16xi32>
      %mul3A_146 = arith.mulf %sub3A_136, %sub3A_136 : vector<16xf32>
      %mul3A_147 = arith.constant 1.000000e+01 : f32
      %mul3A_148 = vector.broadcast %mul3A_147 : f32 to vector<16xf32>
      %mul3A_149 = arith.mulf %mul3A_148, %max3A_144 : vector<16xf32>
      %mul3A_150 = arith.mulf %mul3A_149, %max3A_144 : vector<16xf32>
      %select_n3A_151 = arith.select %eq3A_145, %mul3A_146, %mul3A_150 : vector<16xi1>, vector<16xf32>
      %add3A_152 = arith.constant 1568 : i32
      %add3A_153 = arith.addi %min3A_3, %add3A_152 : i32
      %add3A_154 = arith.addi %add3A_153, %add3A_115 : i32
      %add3A_155 = vector.broadcast %add3A_154 : i32 to vector<16xi32>
      %add3A_156 = arith.addi %add3A_155, %iota3A : vector<16xi32>
      %ge3A_157 = vector.broadcast %mul3A_2 : i32 to vector<16xi32>
      %ge3A_158 = arith.cmpi sge, %add3A_156, %ge3A_157 : vector<16xi32>
      %lt3A_159 = arith.constant 100000 : i32
      %lt3A_160 = vector.broadcast %lt3A_159 : i32 to vector<16xi32>
      %lt3A_161 = arith.cmpi slt, %add3A_156, %lt3A_160 : vector<16xi32>
      %and3A_162 = arith.andi %ge3A_158, %lt3A_161 : vector<16xi1>
      %jit3A_163 = arith.constant 0.000000e+00 : f32
      %broadcast_in_dim3A_164 = vector.broadcast %jit3A_163 : f32 to vector<16xf32>
      %select_n3A_165 = arith.select %and3A_162, %select_n3A_151, %broadcast_in_dim3A_164 : vector<16xi1>, vector<16xf32>
      %add3A_166 = arith.addf %add3A_113, %select_n3A_165 : vector<16xf32>
      scf.yield %add3A_166 : vector<16xf32>
    }
    %scan3A_59 = arith.constant 49 : i32
    %mul3A_60 = arith.constant 9.99999974E-6 : f32
    %mul3A_61 = vector.broadcast %mul3A_60 : f32 to vector<16xf32>
    %mul3A_62 = arith.mulf %scan3A_58, %mul3A_61 : vector<16xf32>
    %swap3A = arith.constant 0 : index
    %swap3A_63 = tpu.vector_load %arg15[%swap3A] {strides = array<i32>} : memref<16xf32, #tpu.memory_space<vmem>>, vector<16xf32>,
    tpu.vector_store %arg15[%swap3A], %mul3A_62 {strides = array<i32>} : memref<16xf32, #tpu.memory_space<vmem>>, vector<16xf32>,
    %mul3A_64 = arith.constant 16 : i32
    %mul3A_65 = arith.muli %arg1, %mul3A_64 : i32
    "tpu.region"() ({
      %run_scoped3A = tpu.sem_alloc : memref<!tpu.dma_semaphore, #tpu.memory_space<semaphore_mem>>
      %dma_start3A_68 = tpu.memref_slice %arg17[%mul3A_65] : memref<256xf32, #tpu.memory_space<vmem_shared>> -> memref<16xf32, #tpu.memory_space<vmem_shared>>
      %dma_start3A_69 = tpu.memref_slice %arg17[%mul3A_65] : memref<256xf32, #tpu.memory_space<vmem_shared>> -> memref<16xf32, #tpu.memory_space<vmem_shared>>
      tpu.enqueue_dma source(%arg15 : memref<16xf32, #tpu.memory_space<vmem>>) target(%dma_start3A_69 : memref<16xf32, #tpu.memory_space<vmem_shared>>) target_semaphore(%run_scoped3A : memref<!tpu.dma_semaphore, #tpu.memory_space<semaphore_mem>>)
      %dma_wait3A_70 = tpu.memref_slice %arg17[%mul3A_65] : memref<256xf32, #tpu.memory_space<vmem_shared>> -> memref<16xf32, #tpu.memory_space<vmem_shared>>
      %dma_wait3A_71 = tpu.memref_slice %arg17[%mul3A_65] : memref<256xf32, #tpu.memory_space<vmem_shared>> -> memref<16xf32, #tpu.memory_space<vmem_shared>>
      tpu.wait_dma2 semaphore(%run_scoped3A : memref<!tpu.dma_semaphore, #tpu.memory_space<semaphore_mem>>) src(%arg15 : memref<16xf32, #tpu.memory_space<vmem>>) dst(%dma_wait3A_71 : memref<16xf32, #tpu.memory_space<vmem_shared>>)
      tpu.yield
    }) : () -> ()
    %barrier3A = arith.constant 0 : index
    tpu.barrier barrier_id(%barrier3A)
    %eq3A = arith.constant 0 : i32
    %eq3A_66 = arith.cmpi eq, %arg1, %eq3A : i32
    %convert_element_type3A = arith.extui %eq3A_66 : i1 to i32
    %cond3A = arith.constant 0 : i32
    %cond3A_67 = arith.cmpi ne, %convert_element_type3A, %cond3A : i32
    scf.if %cond3A_67 {
      "tpu.region"() ({
        %run_scoped3A = tpu.sem_alloc : memref<!tpu.dma_semaphore, #tpu.memory_space<semaphore_mem>>
        tpu.enqueue_dma source(%arg17 : memref<256xf32, #tpu.memory_space<vmem_shared>>) target(%arg16 : memref<256xf32, #tpu.memory_space<vmem>>) target_semaphore(%run_scoped3A : memref<!tpu.dma_semaphore, #tpu.memory_space<semaphore_mem>>)
        tpu.wait_dma2 semaphore(%run_scoped3A : memref<!tpu.dma_semaphore, #tpu.memory_space<semaphore_mem>>) src(%arg17 : memref<256xf32, #tpu.memory_space<vmem_shared>>) dst(%arg16 : memref<256xf32, #tpu.memory_space<vmem>>)
        tpu.yield
      }) : () -> ()
      %broadcast_in_dim3A_68 = arith.constant 0.000000e+00 : f32
      %broadcast_in_dim3A_69 = vector.broadcast %broadcast_in_dim3A_68 : f32 to vector<16xf32>
      %scan3A_70 = arith.constant 0 : i32
      %scan3A_71 = arith.constant 16 : i32
      %scan3A_72 = arith.addi %scan3A_70, %scan3A_71 : i32
      %scan3A_73 = arith.constant 1 : i32
      %scan3A_74 = scf.for %scan3A_80 = %scan3A_70 to %scan3A_72 step %scan3A_73 iter_args(%scan3A_81 = %broadcast_in_dim3A_69) -> (vector<16xf32>)  : i32 {
        %mul3A_82 = arith.constant 16 : i32
        %mul3A_83 = arith.muli %scan3A_80, %mul3A_82 : i32
        %get3A = arith.index_cast %mul3A_83 : i32 to index
        %get3A_84 = tpu.vector_load %arg16[%get3A] {strides = array<i32>} : memref<256xf32, #tpu.memory_space<vmem>>, vector<16xf32>,
        %add3A_85 = arith.addf %scan3A_81, %get3A_84 : vector<16xf32>
        scf.yield %add3A_85 : vector<16xf32>
      }
      %scan3A_75 = arith.constant 16 : i32
      %swap3A_76 = arith.constant 0 : index
      %swap3A_77 = tpu.vector_load %arg15[%swap3A_76] {strides = array<i32>} : memref<16xf32, #tpu.memory_space<vmem>>, vector<16xf32>,
      tpu.vector_store %arg15[%swap3A_76], %scan3A_74 {strides = array<i32>} : memref<16xf32, #tpu.memory_space<vmem>>, vector<16xf32>,
      %mul3A_78 = arith.constant 16 : i32
      %mul3A_79 = arith.muli %arg0, %mul3A_78 : i32
      "tpu.region"() ({
        %run_scoped3A = tpu.sem_alloc : memref<!tpu.dma_semaphore, #tpu.memory_space<semaphore_mem>>
        %dma_start3A_80 = tpu.memref_slice %arg5[%mul3A_79] : memref<32xf32, #tpu.memory_space<hbm>> -> memref<16xf32, #tpu.memory_space<hbm>>
        %dma_start3A_81 = tpu.memref_slice %arg5[%mul3A_79] : memref<32xf32, #tpu.memory_space<hbm>> -> memref<16xf32, #tpu.memory_space<hbm>>
        tpu.enqueue_dma source(%arg15 : memref<16xf32, #tpu.memory_space<vmem>>) target(%dma_start3A_81 : memref<16xf32, #tpu.memory_space<hbm>>) target_semaphore(%run_scoped3A : memref<!tpu.dma_semaphore, #tpu.memory_space<semaphore_mem>>)
        %dma_wait3A_82 = tpu.memref_slice %arg5[%mul3A_79] : memref<32xf32, #tpu.memory_space<hbm>> -> memref<16xf32, #tpu.memory_space<hbm>>
        %dma_wait3A_83 = tpu.memref_slice %arg5[%mul3A_79] : memref<32xf32, #tpu.memory_space<hbm>> -> memref<16xf32, #tpu.memory_space<hbm>>
        tpu.wait_dma2 semaphore(%run_scoped3A : memref<!tpu.dma_semaphore, #tpu.memory_space<semaphore_mem>>) src(%arg15 : memref<16xf32, #tpu.memory_space<vmem>>) dst(%dma_wait3A_83 : memref<16xf32, #tpu.memory_space<hbm>>)
        tpu.yield
      }) : () -> ()
    } else {
    }
    return
  }
}

</mosaic_0001>

<sc_bundles>
// kernel: kernel.3.cloned.1.call-start
scs
__scs_entry_jumppad:
0x0: {  	(pc) =	sbr.rel $0x88, $3  }
0x1: {  	(tag) =	ssettag $0x0;
	lr =	simm.s32 $0x1  }
0x2: {  	[smem:$0x3F9D] =	sst lr;
	_ =	strace $0xD0000000  }
0x3: {  	_ = 	snop  }
0x4: {  	_ = 	snop  }
0x5: {  	_ = 	snop  }
0x6: {  	_ = 	snop  }
0x7: {  	_ = 	snop  }
__scs_overlays_trampoline_lowered:
0x8: {  	[smem:$0x3FAC] =	sst s0  }
0x9: {  	[smem:$0x3FAD] =	sst s1  }
0xa: {  	[smem:$0x3FAE] =	sst s2  }
0xb: {  	[smem:$0x3FAF] =	sst s3  }
0xc: {  	[smem:$0x3FB0] =	sst s4  }
0xd: {  	[smem:$0x3FB1] =	sst s5  }
0xe: {  	[smem:$0x3FB2] =	sst s6  }
0xf: {  	[smem:$0x3FB3] =	sst s7  }
0x10: {  	[smem:$0x3FB4] =	sst s8  }
0x11: {  	[smem:$0x3FB5] =	sst s9;
	s0 =	simm.s32 @!p0 $0x0  }
0x12: {  	s1 =	sld [smem:$0x3F9B];
	s0 =	simm.s32 @p0 $0x1  }
0x13: {  	[smem:$0x3FB6] =	sst s0;
	s0 =	simm.s32 @!p1 $0x0  }
0x14: {  	s2 =	sld [smem:$0x3F9A];
	s0 =	simm.s32 @p1 $0x1  }
0x15: {  	[smem:$0x3FB7] =	sst s0;
	s0 =	simm.s32 @!p2 $0x0  }
0x16: {  	s3 =	sld [smem:$0x3FDB];
	s0 =	simm.s32 @p2 $0x1  }
0x17: {  	s4 =	simm.s32 $0x1BF5;
	[smem:$0x3FB9] =	sst s0  }
0x18: {  	s0 =	sld [smem:$0x3F9C];
	_ =	swait.ge [sflag:s4], $0x0  }
0x19: {  	s7 =	sld [smem:$0x3F9D]  }
0x1a: {  	s8 =	sadd.s32 $0xFFFFE003, lr  }
0x1b: {  	s9 =	sadd.s32 $0xFFFFFEF7, lr;
	s5 =	simm.s32 $0xFFFFFFFF;
	p2 =	slt.u32 s8, $0xFFFFF086  }
0x1c: {  	p1 =	slt.u32 s9, $0xF7A;
	s5 =	simm.s32 @!p2 $0x0  }
0x1d: {  	s5 =	simm.s32 @p1 $0x1;
	p0 =	seq.s32 s7, s2  }
0x1e: {  	s7 =	smul.u32 @!p0 $0xF7A, s2;
	p2 =	seq.s32 @!p0 s5, $0x0  }
0x1f: {  	s9 =	smul.u32 $0xF7A, s1;
	s8 =	simm.s32 @!p0 $0x1BF5;
	p2 =	por !p2, p0  }
0x20: {  	[sflag:s8] =	ssyncset.s32 @!p0 $0xFFFFF086;
	s6 =	sadd.s32 @!p0 s3, s7;
	s7 =	simm.s32 @!p0 $0x108  }
0x21: {  	s3 =	sadd.s32 s3, s9;
	s6 =	sadd.s32 @!p0 $0x88, s6;
	s7 =	simm.s32 @p2 $0x1082  }
0x22: {  	[simem:s7], [sflag:s8] =	dma.local @!p0 [hbm:s6], $0xF7A  }
0x23: {  	s9 =	sor.u32 $0xD0000000, s2;
	s6 =	simm.s32 $0x108;
	_ =	swait.ge @!p0 [sflag:s8], $0x0  }
0x24: {  	s3 =	sadd.s32 $0x88, s3;
	s6 =	simm.s32 @!p1 $0x1082;
	[sflag:s4] =	ssyncset.s32 $0xFFFFF086  }
0x25: {  	[simem:s6], [sflag:s4] =	dma.local [hbm:s3], $0xF7A  }
0x26: {  	[smem:$0x3F9D] =	sst s1;
	(tag) =	ssettag s2;
	_ =	strace s9  }
0x27: {  	s1 =	sld [smem:$0x3FAD]  }
0x28: {  	s2 =	sld [smem:$0x3FAE]  }
0x29: {  	s4 =	sld [smem:$0x3FB0]  }
0x2a: {  	p0 =	seq.s32 s5, $0x0;
	s5 =	sld [smem:$0x3FB1]  }
0x2b: {  	s6 =	sld [smem:$0x3FB2]  }
0x2c: {  	s7 =	sld [smem:$0x3FB3]  }
0x2d: {  	s3 =	simm.s32 $0x108;
	s8 =	sld [smem:$0x3FB4]  }
0x2e: {  	s3 =	simm.s32 @!p0 $0x1082;
	s9 =	sld [smem:$0x3FB5]  }
0x2f: {  	lr =	sadd.s32 s0, s3;
	s0 =	sld [smem:$0x3FAC]  }
0x30: {  	s3 =	sld [smem:$0x3FAF]  }
0x31: {  	[smem:$0x3FB8] =	sst s10  }
0x32: {  	s10 =	sld [smem:$0x3FB6];
	_ =	sdelay $0x3  }
0x33: {  	p0 =	seq.s32 s10, $0x1;
	s10 =	sld [smem:$0x3FB8];
	_ =	sdelay $0x3  }
0x34: {  	[smem:$0x3FB8] =	sst s10  }
0x35: {  	s10 =	sld [smem:$0x3FB7];
	_ =	sdelay $0x3  }
0x36: {  	p1 =	seq.s32 s10, $0x1;
	s10 =	sld [smem:$0x3FB8];
	_ =	sdelay $0x3  }
0x37: {  	[smem:$0x3FB8] =	sst s10  }
0x38: {  	s10 =	sld [smem:$0x3FB9]  }
0x39: {  	_ = 	snop;
	(pc) =	sbr.ind lr, $3  }
0x3a: {  	_ = 	snop  }
0x3b: {  	_ = 	snop  }
0x3c: {  	p2 =	seq.s32 s10, $0x1;
	s10 =	sld [smem:$0x3FB8]  }
0x3d: {  	_ =	shalt  }
0x3e: {  	_ =	shalt  }
0x3f: {  	_ =	shalt  }
0x40: {  	_ =	shalt  }
0x41: {  	_ =	shalt  }
0x42: {  	_ =	shalt  }
0x43: {  	_ =	shalt  }
0x44: {  	_ =	shalt  }
0x45: {  	_ =	shalt  }
0x46: {  	_ =	shalt  }
0x47: {  	_ =	shalt  }
0x48: {  	_ =	shalt  }
0x49: {  	_ =	shalt  }
0x4a: {  	_ =	shalt  }
0x4b: {  	_ =	shalt  }
0x4c: {  	_ =	shalt  }
0x4d: {  	_ =	shalt  }
0x4e: {  	_ =	shalt  }
0x4f: {  	_ =	shalt  }
0x50: {  	_ =	shalt  }
0x51: {  	_ =	shalt  }
0x52: {  	_ =	shalt  }
0x53: {  	_ =	shalt  }
0x54: {  	_ =	shalt  }
0x55: {  	_ =	shalt  }
0x56: {  	_ =	shalt  }
0x57: {  	_ =	shalt  }
0x58: {  	_ =	shalt  }
0x59: {  	_ =	shalt  }
0x5a: {  	_ =	shalt  }
0x5b: {  	_ =	shalt  }
0x5c: {  	_ =	shalt  }
0x5d: {  	_ =	shalt  }
0x5e: {  	_ =	shalt  }
0x5f: {  	_ =	shalt  }
0x60: {  	_ =	shalt  }
0x61: {  	_ =	shalt  }
0x62: {  	_ =	shalt  }
0x63: {  	_ =	shalt  }
0x64: {  	_ =	shalt  }
0x65: {  	_ =	shalt  }
0x66: {  	_ =	shalt  }
0x67: {  	_ =	shalt  }
0x68: {  	_ =	shalt  }
0x69: {  	_ =	shalt  }
0x6a: {  	_ =	shalt  }
0x6b: {  	_ =	shalt  }
0x6c: {  	_ =	shalt  }
0x6d: {  	_ =	shalt  }
0x6e: {  	_ =	shalt  }
0x6f: {  	_ =	shalt  }
0x70: {  	_ =	shalt  }
0x71: {  	_ =	shalt  }
0x72: {  	_ =	shalt  }
0x73: {  	_ =	shalt  }
0x74: {  	_ =	shalt  }
0x75: {  	_ =	shalt  }
0x76: {  	_ =	shalt  }
0x77: {  	_ =	shalt  }
0x78: {  	_ =	shalt  }
0x79: {  	_ =	shalt  }
0x7a: {  	_ =	shalt  }
0x7b: {  	_ =	shalt  }
0x7c: {  	_ =	shalt  }
0x7d: {  	_ =	shalt  }
0x7e: {  	_ =	shalt  }
0x7f: {  	_ =	shalt  }
0x80: {  	_ =	shalt  }
0x81: {  	_ =	shalt  }
0x82: {  	_ =	shalt  }
0x83: {  	_ =	shalt  }
0x84: {  	_ =	shalt  }
0x85: {  	_ =	shalt  }
0x86: {  	_ =	shalt  }
0x87: {  	_ =	shalt  }
.Lfunc_end0:
.L_simem_size_0:
called_computation_lowered:
.L_overlay_start_0:
0x88: {  	s2 =	sld [smem:$0x3FD9]  }
0x89: {  	s3 =	sld [smem:$0x3FFE];
	_ =	sdelay $0x1  }
0x8a: {  	s1 =	srdreg.scid  }
0x8b: {  	s0 =	sand.u32 $0x1, s1  }
0x8c: {  	s17 =	sshll.u32 s0, $0xA;
	s2 =	sadd.s32 s3, s2  }
0x8d: {  	s2 =	sadd.s32 s2, s17  }
0x8e: {  	[smem:$0x3FC4] =	sst s2  }
0x8f: {  	_ = 	snop  }
0x90: {  	s2 =	sld [smem:$0x3FC7]  }
0x91: {  	s18 =	sld [smem:$0x3FC6];
	(tm) =	ssettm $0x1  }
0x92: {  	s4 =	sld [smem:$0x3FFB];
	_ =	sdelay $0x3  }
0x93: {  	_ =	strace s4  }
0x94: {  	s4 =	sld [smem:$0x3FFC];
	_ =	sdelay $0x3  }
0x95: {  	_ =	strace s4  }
0x96: {  	s4 =	sld [smem:$0x3FFD];
	_ =	sdelay $0x3  }
0x97: {  	_ =	strace s4  }
0x98: {  	_ =	strace $0x8FFFFFFF  }
0x99: {  	s19 =	sld [smem:$0x3FDB];
	_ =	sdelay $0x1  }
0x9a: {  	s5 =	simm.s32 $_scs_section_size  }
0x9b: {  	s6 =	simm.s32 $_size__tile_overlayer_lowered;
	s7 =	simm.s32 $_tile_overlayer_lowered  }
0x9c: {  	s22 =	simm.s32 $0x1BFF;
	s21 =	sshll.u32 s7, $0x1;
	s4 =	sadd.s32 s5, s19  }
0x9d: {  	s8 =	simm.s32 $0x0;
	s20 =	sshll.u32 s6, $0x1;
	s6 =	sadd.s32 s21, s4  }
0x9e: {  	[timem:s8], [sflag:s22] =	dma.local [hbm:s6], s20  }
0x9f: {  	_ =	swait.ge [sflag:s22], s20  }
0xa0: {  	s5 =	ssub.s32 $0x0, s20;
	[sflag:s22] =	ssyncset.done $0x0  }
0xa1: {  	[sflag:s22] =	ssyncadd.s32 s5;
	_ =	sdelay $0x1  }
0xa2: {  	s23 =	simm.s32 $0x1B8B  }
0xa3: {  	_ =	swait.ge [sflag:s23], $0x1  }
0xa4: {  	[sflag:s23] =	ssyncset.done $0x0  }
0xa5: {  	s25 =	simm.s32 $0x1B8E;
	s24 =	sld [smem:$0x3FFE];
	[sflag:s23] =	ssyncadd.s32 $0xFFFFFFFF  }
0xa6: {  	s26 =	simm.s32 $execute0_lowered;
	[smem:$0x3FD2] =	sst s25  }
0xa7: {  	s6 =	sshll.u32 s26, $0x1;
	_ =	strace $0x80000046;
	[dreg:$0x1] =	wrdreg $0xFFFFFFFF  }
0xa8: {  	s28 =	simm.s32 $_size_execute0_lowered;
	s4 =	sadd.s32 s4, s6;
	[dreg:$0x0] =	wrdreg $0x0  }
0xa9: {  	s6 =	sshll.u32 s28, $0x1;
	[dreg:$0x2] =	wrdreg s4  }
0xaa: {  	[dreg:$0x3] =	wrdreg s6  }
0xab: {  	[dreg:$0x4] =	wrdreg $0xC0  }
0xac: {  	_ =	task [dreg:s8], $0x5FFFF  }
0xad: {  	[dreg:$0x1] =	wrdreg $0xFFFFFFFF  }
0xae: {  	[dreg:$0x0] =	wrdreg $0x60  }
0xaf: {  	[dreg:$0x2] =	wrdreg s18  }
0xb0: {  	[dreg:$0x3] =	wrdreg s2  }
0xb1: {  	[dreg:$0x4] =	wrdreg s24  }
0xb2: {  	[dreg:$0x5] =	wrdreg $0x1BC800  }
0xb3: {  	[dreg:$0x6] =	wrdreg $0x9  }
0xb4: {  	_ =	task.clear_ibuf [dreg:s8], $0x7FFFF;
	_ =	strace $0x90000046  }
0xb5: {  	s29 =	simm.s32 $0x9;
	_ =	strace $0x80000048  }
0xb6: {  	_ =	swait.ge [sflag:s29], $0x1  }
0xb7: {  	[sflag:s29] =	ssyncadd.s32 $0xFFFFFFFF  }
0xb8: {  	_ =	strace $0x90000048  }
0xb9: {  	_ =	sfence  }
0xba: {  	s30 =	sld [smem:$0x0];
	_ =	sdelay $0x2  }
0xbb: {  	s31 =	sshll.u32 s1, $0xD;
	s1 =	sshrl.u32 s1, $0x2  }
0xbc: {  	s3 =	sand.u32 $0x4000, s31;
	s1 =	sadd.s32 s1, s30  }
0xbd: {  	s0 =	sor.u32 s3, s0;
	s1 =	sshll.u32 s1, $0x11  }
0xbe: {  	s0 =	sor.u32 s1, s0  }
0xbf: {  	s0 =	sadd.s32 $0x8F2B, s0  }
0xc0: {  	[sflag:s0] =	ssyncadd.remote.s32 $0x1  }
0xc1: {  	_ =	sfence.sel $0xFFFF  }
0xc2: {  	[dreg:$0x0] =	wrdreg $0xFFFFFFFF;
	(pc) =	sbr.abs _section_cstart, $3  }
0xc3: {  	[dreg:$0x1] =	wrdreg $0xFFFFFFFF  }
0xc4: {  	_ =	task.clear_ibuf [dreg:s8], $0x2FFFF;
	_ =	strace $0x9FFFFFFF  }
0xc5: {  	(tm) =	ssettm $0x7FFFFFFF  }
tec
execute0_lowered:
.L_overlay_start_1:
0x0: {  	(tag) =	ssettag $0x1  }
0x1: {  	s5 =	rddreg [dreg:$0x0]  }
0x2: {  	s0 =	rddreg [dreg:$0x1]  }
0x3: {  	s1 =	rddreg [dreg:$0x2];
	s2 =	srdreg.scid  }
0x4: {  	s24 =	stileid.u32;
	s3 =	rddreg [dreg:$0x3];
	s4 =	simm.s32 $0x0  }
0x5: {  	s13 =	simm.s32 $0x18700;
	s14 =	simm.s32 $0x1A100;
	s15 =	simm.s32 $0x2  }
0x6: {  	s16 =	simm.s32 $0x620;
	s17 =	simm.s32 $0x19400;
	s18 =	simm.s32 $0x18D80  }
0x7: {  	s19 =	simm.s32 $0x19A80;
	s20 =	simm.s32 $0x1AE00;
	s21 =	simm.s32 $0x1A780  }
0x8: {  	s22 =	simm.s32 $0x1B480;
	s23 =	simm.s32 $0x1;
	s26 =	simm.s32 $0x4  }
0x9: {  	s28 =	simm.s32 $0x0;
	s6 =	sand.u32 $0x1, s2;
	s10 =	smul.u32 $0x1880, s24  }
0xa: {  	s7 =	sshll.u32 s24, $0x1;
	s2 =	rddreg [dreg:$0x4];
	s12 =	smul.u32 $0xC40, s6  }
0xb: {  	[smem:$0x7FF] =	sst s4;
	s31 =	sshll.u32 s24, $0x4;
	p0 =	sne.s32 s24, $0x0  }
0xc: {  	s24 =	simm.s32 $0x3;
	s7 =	sor.u32 s6, s7;
	s10 =	sadd.s32 s12, s10  }
0xd: {  	s8 =	sshll.u32 s6, $0x1;
	s25 =	smul.u32 $0xC40, s7;
	s10 =	smin.u32 s10, $0x17A60  }
0xe: {  	_ =	strace $0x80000047;
	s30 =	ssub.s32 $0x2, s6;
	s8 =	sadd.s32 s8, s1;
	v2 =	vmov s10  }
0xf: {  	s11 =	sshrl.u32 s30, $0x1;
	s7 =	sadd.s32 s31, s3;
	s9 =	smin.u32 s25, $0x17A60  }
0x10: {  	s11 =	ssub.s32 s30, s11;
	s8 =	sadd.s32 $0x3200, s8;
	s9 =	sshrl.u32 s9, $0x3  }
0x11: {  	v0 =	vmov s25;
	s25 =	simm.s32 $0x1BB00;
	s12 =	sadd.s32 $0x620, s10;
	s5 =	sadd.s32 s5, s9  }
0x12: {  	v1 =	vlaneseq.u32;
	s9 =	smax.u32 s11, $0x1;
	s11 =	sor.u32 $0x10, s10;
	s6 =	sadd.s32 $0xC4, s5  }
.LBB2_1:
0x13: {  	[tilespmem:s4], [sflag:$0x1] =	stream.linear.gather [hbm4b:s1+s4], $0x18700, $0x38;
	[tilespmem:$0x1BC90] =	vst v63  }
0x14: {  	_ = 	snop  }
0x15: {  	[tilespmem:s13], [sflag:$0x2] =	stream.linear.gather [hbm4b:s5+s4], $0x620, $0x38;
	[tilespmem:$0x1BC90] =	vst v63  }
0x16: {  	_ = 	snop  }
0x17: {  	[tilespmem:s14], [sflag:$0x2] =	stream.linear.gather [hbm4b:s6+s4], $0x620, $0x38;
	[tilespmem:$0x1BC90] =	vst v63  }
0x18: {  	_ =	swait.ge [sflag:s15], $0x620  }
0x19: {  	[sflag:s15] =	ssyncset.done $0x0  }
0x1a: {  	s29 =	simm.s32 $0x0;
	[sflag:s15] =	ssyncadd.s32 $0xFFFFF9E0  }
0x1b: {  	v3 =	vld [tilespmem:s29+$0x18700]  }
0x1c: {  	v4 =	vld [tilespmem:s29+$0x18710];
	_ =	sdelay $0x3  }
0x1d: {  	v5 =	vand.u32 $0xFFFFFF80, v3  }
0x1e: {  	v3 =	vadd.s32 v3, v5;
	v5 =	vand.u32 $0xFFFFFF80, v4  }
0x1f: {  	s30 =	simm.s32 $0x20;
	s31 =	simm.s32 $0x100;
	[tilespmem:s29+$0x18700] =	vst v3;
	v3 =	vadd.s32 $0x80, v3;
	v4 =	vadd.s32 v4, v5  }
.LBB2_2:
0x20: {  	p1 =	sne.s32 s31, $0x1800;
	v5 =	vld [tilespmem:s30+$0x18700];
	[tilespmem:s29+$0x18710] =	vst v4;
	v4 =	vadd.s32 $0x80, v4  }
0x21: {  	v6 =	vld [tilespmem:s30+$0x18710];
	[tilespmem:s29+$0x18D80] =	vst v3  }
0x22: {  	[tilespmem:s29+$0x18D90] =	vst v4;
	s29 =	smov.u32 s30  }
.Ltmp0:
0x23: {  	(pc) =	sbr.rel @p1 .LBB2_2-.Ltmp0, $4  }
0x24: {  	_ = 	snop  }
0x25: {  	v3 =	vand.u32 $0xFFFFFF80, v5  }
0x26: {  	v3 =	vadd.s32 v5, v3;
	v4 =	vand.u32 $0xFFFFFF80, v6  }
0x27: {  	s30 =	sshra.s32 s31, $0x2;
	s31 =	sadd.s32 $0x80, s31;
	[tilespmem:s29+$0x18700] =	vst v3;
	v3 =	vadd.s32 $0x80, v3;
	v4 =	vadd.s32 v6, v4  }
0x28: {  	v5 =	vld [tilespmem:s30+$0x18700];
	[tilespmem:s29+$0x18710] =	vst v4  }
0x29: {  	v6 =	vld [tilespmem:s30+$0x18710];
	_ =	sdelay $0x3  }
0x2a: {  	v4 =	vadd.s32 $0x80, v4;
	[tilespmem:s29+$0x18D80] =	vst v3;
	v3 =	vand.u32 $0xFFFFFF80, v5  }
0x2b: {  	[tilespmem:s29+$0x18D90] =	vst v4;
	v3 =	vadd.s32 v5, v3;
	v4 =	vand.u32 $0xFFFFFF80, v6  }
0x2c: {  	[tilespmem:s30+$0x18700] =	vst v3;
	v4 =	vadd.s32 v6, v4  }
0x2d: {  	v3 =	vadd.s32 $0x80, v3;
	[tilespmem:s30+$0x18710] =	vst v4  }
0x2e: {  	v4 =	vadd.s32 $0x80, v4;
	[tilespmem:s30+$0x18D80] =	vst v3  }
0x2f: {  	[tilespmem:s30+$0x18D90] =	vst v4  }
0x30: {  	[tilespmem:s17], [sflag:$0x3] =	stream.indirect.gather [hbm4b:s0+s16], $0x1, s13, s16, $0xb8;
	[tilespmem:$0x1BC90] =	vst v63  }
0x31: {  	_ = 	snop  }
0x32: {  	[tilespmem:s19], [sflag:$0x3] =	stream.indirect.gather [hbm4b:s0+s16], $0x1, s18, s16, $0xb8;
	[tilespmem:$0x1BC90] =	vst v63  }
0x33: {  	_ =	swait.ge [sflag:s15], $0x620  }
0x34: {  	[sflag:s15] =	ssyncset.done $0x0  }
0x35: {  	s29 =	simm.s32 $0x0;
	[sflag:s15] =	ssyncadd.s32 $0xFFFFF9E0  }
0x36: {  	v3 =	vld [tilespmem:s29+$0x1A100]  }
0x37: {  	v4 =	vld [tilespmem:s29+$0x1A110];
	_ =	sdelay $0x3  }
0x38: {  	v5 =	vand.u32 $0xFFFFFF80, v3  }
0x39: {  	v3 =	vadd.s32 v3, v5;
	v5 =	vand.u32 $0xFFFFFF80, v4  }
0x3a: {  	s31 =	simm.s32 $0x100;
	s30 =	simm.s32 $0x20;
	[tilespmem:s29+$0x1A100] =	vst v3;
	v3 =	vadd.s32 $0x80, v3;
	v4 =	vadd.s32 v4, v5  }
.LBB2_4:
0x3b: {  	p1 =	sne.s32 s31, $0x1800;
	v5 =	vld [tilespmem:s30+$0x1A100];
	[tilespmem:s29+$0x1A110] =	vst v4;
	v4 =	vadd.s32 $0x80, v4  }
0x3c: {  	v6 =	vld [tilespmem:s30+$0x1A110];
	[tilespmem:s29+$0x1A780] =	vst v3  }
0x3d: {  	[tilespmem:s29+$0x1A790] =	vst v4;
	s29 =	smov.u32 s30  }
.Ltmp1:
0x3e: {  	(pc) =	sbr.rel @p1 .LBB2_4-.Ltmp1, $4  }
0x3f: {  	_ = 	snop  }
0x40: {  	v3 =	vand.u32 $0xFFFFFF80, v5  }
0x41: {  	v3 =	vadd.s32 v5, v3;
	v4 =	vand.u32 $0xFFFFFF80, v6  }
0x42: {  	s30 =	sshra.s32 s31, $0x2;
	s31 =	sadd.s32 $0x80, s31;
	[tilespmem:s29+$0x1A100] =	vst v3;
	v3 =	vadd.s32 $0x80, v3;
	v4 =	vadd.s32 v6, v4  }
0x43: {  	v5 =	vld [tilespmem:s30+$0x1A100];
	[tilespmem:s29+$0x1A110] =	vst v4  }
0x44: {  	v6 =	vld [tilespmem:s30+$0x1A110];
	_ =	sdelay $0x3  }
0x45: {  	v4 =	vadd.s32 $0x80, v4;
	[tilespmem:s29+$0x1A780] =	vst v3;
	v3 =	vand.u32 $0xFFFFFF80, v5  }
0x46: {  	[tilespmem:s29+$0x1A790] =	vst v4;
	v3 =	vadd.s32 v5, v3;
	v4 =	vand.u32 $0xFFFFFF80, v6  }
0x47: {  	[tilespmem:s30+$0x1A100] =	vst v3;
	v4 =	vadd.s32 v6, v4  }
0x48: {  	v3 =	vadd.s32 $0x80, v3;
	[tilespmem:s30+$0x1A110] =	vst v4  }
0x49: {  	v4 =	vadd.s32 $0x80, v4;
	[tilespmem:s30+$0x1A780] =	vst v3  }
0x4a: {  	[tilespmem:s30+$0x1A790] =	vst v4  }
0x4b: {  	[tilespmem:s20], [sflag:$0x3] =	stream.indirect.gather [hbm4b:s0+s16], $0x1, s14, s16, $0xb8;
	[tilespmem:$0x1BC90] =	vst v63  }
0x4c: {  	_ = 	snop  }
0x4d: {  	[tilespmem:s22], [sflag:$0x3] =	stream.indirect.gather [hbm4b:s0+s16], $0x1, s21, s16, $0xb8;
	[tilespmem:$0x1BC90] =	vst v63  }
0x4e: {  	_ =	swait.ge [sflag:s23], $0x18700  }
0x4f: {  	[sflag:s23] =	ssyncset.done $0x0  }
0x50: {  	s29 =	simm.s32 $0x0;
	[sflag:s23] =	ssyncadd.s32 $0xFFFE7900  }
0x51: {  	v4 =	vmov s11;
	s30 =	sadd.s32 $0xFFFFFFF0, s11;
	v5 =	vld.idx.msk [tilespmem:v2+s29+$0x0 ss:$0x1], $0xffff  }
0x52: {  	vm0 =	vlt.u32 v4, $0x186A0;
	v4 =	vmov s30  }
0x53: {  	vm2 =	vlt.u32 v4, $0x186A0;
	v4 =	vld.idx.msk [tilespmem:v2+s29+$0x10 ss:$0x1], $0xffff;
	_ =	sdelay $0x1  }
0x54: {  	v6 =	vor.u32 s11, v1;
	v3 =	vimm.f32 $0.0e+00  }
0x55: {  	vm1 =	vge.u32 v6, v0;
	v6 =	vor.u32 s30, v1;
	v7 =	vand.u32 $0x7, v5  }
0x56: {  	s31 =	simm.s32 $0x20;
	s30 =	simm.s32 $0x100;
	vm4 =	vge.u32 v6, v0;
	s29 =	smov.u32 s11;
	v5 =	vand.u32 $0xFFFFFFF8, v5;
	vm3 =	veq.s32 v7, $0x0  }
.LBB2_6:
0x57: {  	p1 =	sne.s32 s30, $0x3080;
	v6 =	vld.idx.msk [tilespmem:v2+s31+$0x0 ss:$0x1], $0xffff;
	vm3 =	vmand vm4, vm3;
	v5 =	vmul.f32 v5, v5;
	v7 =	vand.u32 $0x7, v4  }
0x58: {  	v8 =	vand.u32 $0xFFFFFFF8, v4;
	vm2 =	vmand vm2, vm3;
	vm3 =	veq.s32 v7, $0x0  }
0x59: {  	s29 =	sadd.s32 $0x20, s29;
	v7 =	vmul.f32 v8, v8;
	v4 =	vld.idx.msk [tilespmem:v2+s31+$0x10 ss:$0x1], $0xffff;
	v5 =	vnsel vm2, $0x0, v5;
	vm1 =	vmand vm1, vm3  }
.Ltmp2:
0x5a: {  	v8 =	vmov s29;
	v3 =	vadd.f32 v5, v3;
	vm1 =	vmand vm0, vm1;
	(pc) =	sbr.rel @p1 .LBB2_6-.Ltmp2, $4  }
0x5b: {  	s31 =	sadd.s32 $0xFFFFFFF0, s29;
	v5 =	vor.u32 s29, v1;
	vm0 =	vlt.u32 v8, $0x186A0;
	v7 =	vnsel vm1, $0x0, v7  }
0x5c: {  	v8 =	vmov s31;
	vm1 =	vge.u32 v5, v0;
	v3 =	vadd.f32 v7, v3  }
0x5d: {  	vm2 =	vlt.u32 v8, $0x186A0;
	v7 =	vor.u32 s31, v1;
	v9 =	vand.u32 $0x7, v6  }
0x5e: {  	s31 =	sshra.s32 s30, $0x2;
	s30 =	sadd.s32 $0x80, s30;
	v5 =	vand.u32 $0xFFFFFFF8, v6;
	vm3 =	veq.s32 v9, $0x0;
	vm4 =	vge.u32 v7, v0  }
0x5f: {  	_ =	sdelay $0x3  }
0x60: {  	v6 =	vld.idx.msk [tilespmem:v2+s31+$0x0 ss:$0x1], $0xffff  }
0x61: {  	v7 =	vld.idx.msk [tilespmem:v2+s31+$0x10 ss:$0x1], $0xffff;
	_ =	swait.ge [sflag:s24], $0x620  }
0x62: {  	[sflag:s24] =	ssyncset.done $0x0  }
0x63: {  	[sflag:s24] =	ssyncadd.s32 $0xFFFFF9E0  }
0x64: {  	_ =	swait.ge [sflag:s24], $0x620  }
0x65: {  	[sflag:s24] =	ssyncset.done $0x0  }
0x66: {  	s30 =	simm.s32 $0x0;
	[sflag:s24] =	ssyncadd.s32 $0xFFFFF9E0  }
0x67: {  	v8 =	vld [tilespmem:s30+$0x19410]  }
0x68: {  	v9 =	vld [tilespmem:s30+$0x19400]  }
0x69: {  	vm3 =	vmand vm4, vm3;
	v5 =	vmul.f32 v5, v5;
	v11 =	vld [tilespmem:s30+$0x19A80]  }
0x6a: {  	v10 =	vand.u32 $0x7, v4;
	v4 =	vand.u32 $0xFFFFFFF8, v4;
	s29 =	sadd.s32 $0x20, s29;
	vm2 =	vmand vm2, vm3  }
0x6b: {  	vm10 =	veq.s32 v10, $0x0;
	v4 =	vmul.f32 v4, v4;
	v12 =	vmov s29;
	v10 =	vld [tilespmem:s30+$0x19A90]  }
0x6c: {  	v5 =	vnsel vm2, $0x0, v5;
	vm1 =	vmand vm1, vm10;
	vm11 =	vlt.u32 v12, $0x186A0  }
0x6d: {  	v3 =	vadd.f32 v5, v3;
	vm0 =	vmand vm0, vm1;
	v5 =	vor.u32 s29, v1  }
0x6e: {  	v4 =	vnsel vm0, $0x0, v4;
	vm12 =	vge.u32 v5, v0;
	v5 =	vand.u32 $0x7, v6;
	s30 =	sadd.s32 $0xFFFFFFF0, s29  }
0x6f: {  	v3 =	vadd.f32 v4, v3;
	vm14 =	veq.s32 v5, $0x0;
	v4 =	vor.u32 s30, v1;
	v8 =	vld.idx.msk [tilespmem:v8+s4+$0x0], $0xffff  }
0x70: {  	v5 =	vand.u32 $0xFFFFFFF8, v6;
	v6 =	vand.u32 $0x7, v7;
	vm15 =	vge.u32 v4, v0;
	v4 =	vld.idx.msk [tilespmem:v9+s4+$0x0], $0xffff  }
0x71: {  	v7 =	vand.u32 $0xFFFFFFF8, v7;
	v12 =	vmov s30;
	v5 =	vmul.f32 v5, v5;
	v9 =	vld.idx.msk [tilespmem:v11+s4+$0x0], $0xffff  }
0x72: {  	vm8 =	veq.s32 v6, $0x0;
	vm13 =	vlt.u32 v12, $0x186A0;
	vm3 =	vmand vm15, vm14  }
0x73: {  	v6 =	vmul.f32 v7, v7;
	vm0 =	vmand vm12, vm8;
	vm2 =	vmand vm13, vm3;
	v7 =	vld.idx.msk [tilespmem:v10+s4+$0x0], $0xffff  }
0x74: {  	vm0 =	vmand vm11, vm0;
	v5 =	vnsel vm2, $0x0, v5  }
0x75: {  	s29 =	simm.s32 $0x20;
	v3 =	vadd.f32 v5, v3;
	v5 =	vnsel vm0, $0x0, v6  }
0x76: {  	v14 =	vld [tilespmem:s29+$0x19400];
	v6 =	vand.u32 $0xFFFFFFF8, v8;
	v10 =	vand.u32 $0x7, v4;
	v11 =	vand.u32 $0x7, v9  }
0x77: {  	v12 =	vld [tilespmem:s29+$0x19410];
	v4 =	vand.u32 $0xFFFFFFF8, v4;
	v9 =	vand.u32 $0xFFFFFFF8, v9;
	v13 =	vsub.s32 v10, v11  }
0x78: {  	v8 =	vand.u32 $0x7, v8;
	v16 =	vand.u32 $0x7, v7;
	v15 =	vsub.s32 $0x0, v13  }
0x79: {  	v17 =	vld [tilespmem:s29+$0x19A80];
	v4 =	vsub.f32 v4, v9;
	v9 =	vmin.u32 v13, v15;
	v13 =	vsub.s32 v8, v16  }
0x7a: {  	v7 =	vand.u32 $0xFFFFFFF8, v7;
	v9 =	vcvt.s32.f32 v9;
	v15 =	vsub.s32 $0x0, v13  }
0x7b: {  	v7 =	vsub.f32 v6, v7;
	v18 =	vand.u32 $0x7FFFFFFF, v4;
	v6 =	vmin.u32 v13, v15;
	v13 =	vld [tilespmem:s29+$0x19A90]  }
0x7c: {  	s30 =	sadd.s32 $0x10, s10;
	v3 =	vadd.f32 v5, v3;
	v5 =	vsub.f32 v9, v18;
	v6 =	vcvt.s32.f32 v6  }
0x7d: {  	vm10 =	vlt.u32 v2, $0x186A0;
	v63 =	vmov s30;
	v15 =	vand.u32 $0x7FFFFFFF, v7  }
0x7e: {  	v19 =	vor.u32 s30, v1;
	v14 =	vld.idx.msk [tilespmem:v14+s4+$0x0], $0xffff;
	v5 =	vmax.f32 v5, $0.0e+00;
	v15 =	vsub.f32 v6, v15  }
0x7f: {  	vm11 =	vge.u32 v19, v0;
	v9 =	vor.u32 s10, v1;
	v6 =	vld.idx.msk [tilespmem:v12+s4+$0x0], $0xffff;
	v12 =	vmul.f32 $1.000000000e+01, v5  }
0x80: {  	v4 =	vmul.f32 v4, v4;
	vm9 =	vge.u32 v9, v0;
	v9 =	vmax.f32 v15, $0.0e+00  }
0x81: {  	vm12 =	vlt.u32 v63, $0x186A0;
	v15 =	vld.idx.msk [tilespmem:v17+s4+$0x0], $0xffff;
	v5 =	vmul.f32 v12, v5;
	v12 =	vmul.f32 $1.000000000e+01, v9  }
0x82: {  	vm14 =	vmand vm12, vm11;
	vm13 =	veq.s32 v10, v11;
	vm0 =	vmand vm10, vm9  }
0x83: {  	v4 =	vsel vm13, v4, v5;
	v5 =	vmul.f32 v7, v7;
	v7 =	vmul.f32 v12, v9;
	v10 =	vld.idx.msk [tilespmem:v13+s4+$0x0], $0xffff  }
0x84: {  	vm15 =	veq.s32 v8, v16;
	v11 =	vand.u32 $0xFFFFFFF8, v14;
	v4 =	vnsel vm0, $0x0, v4  }
0x85: {  	s31 =	simm.s32 $0x40;
	v9 =	vand.u32 $0xFFFFFFF8, v6;
	v3 =	vadd.f32 v4, v3;
	v8 =	vsel vm15, v5, v7  }
0x86: {  	v7 =	vld [tilespmem:s31+$0x19410];
	v4 =	vand.u32 $0x7, v14;
	v5 =	vand.u32 $0x7, v15;
	v14 =	vnsel vm14, $0x0, v8  }
0x87: {  	s30 =	simm.s32 $0x180;
	s29 =	smov.u32 s10;
	v13 =	vand.u32 $0xFFFFFFF8, v15;
	v8 =	vld [tilespmem:s31+$0x19400];
	v12 =	vsub.s32 v4, v5;
	v3 =	vadd.f32 v14, v3  }
.LBB2_8:
0x88: {  	p1 =	sne.s32 s30, $0x1800;
	v14 =	vld [tilespmem:s31+$0x19A80];
	v15 =	vsub.s32 $0x0, v12;
	v16 =	vand.u32 $0x7, v6;
	v17 =	vand.u32 $0x7, v10  }
0x89: {  	v11 =	vsub.f32 v11, v13;
	v6 =	vmin.u32 v12, v15;
	v12 =	vsub.s32 v16, v17  }
0x8a: {  	v10 =	vand.u32 $0xFFFFFFF8, v10;
	v13 =	vld [tilespmem:s31+$0x19A90];
	v6 =	vcvt.s32.f32 v6;
	v15 =	vsub.s32 $0x0, v12  }
0x8b: {  	s29 =	sadd.s32 $0x20, s29;
	v9 =	vsub.f32 v9, v10;
	v18 =	vand.u32 $0x7FFFFFFF, v11;
	v10 =	vmin.u32 v12, v15  }
0x8c: {  	s31 =	sadd.s32 $0x10, s29;
	v15 =	vmov s29;
	v12 =	vsub.f32 v6, v18;
	v10 =	vcvt.s32.f32 v10  }
0x8d: {  	v19 =	vand.u32 $0x7FFFFFFF, v9;
	v20 =	vmov s31;
	v18 =	vor.u32 s29, v1  }
0x8e: {  	v6 =	vld.idx.msk [tilespmem:v7+s4+$0x0], $0xffff;
	v7 =	vmax.f32 v12, $0.0e+00;
	v10 =	vsub.f32 v10, v19;
	v12 =	vor.u32 s31, v1  }
0x8f: {  	vm1 =	vlt.u32 v15, $0x186A0;
	vm0 =	vge.u32 v18, v0;
	v8 =	vld.idx.msk [tilespmem:v8+s4+$0x0], $0xffff;
	v19 =	vmul.f32 $1.000000000e+01, v7  }
0x90: {  	v11 =	vmul.f32 v11, v11;
	vm2 =	vge.u32 v12, v0;
	v14 =	vld.idx.msk [tilespmem:v14+s4+$0x0], $0xffff;
	v15 =	vmax.f32 v10, $0.0e+00  }
0x91: {  	vm3 =	vlt.u32 v20, $0x186A0;
	v7 =	vmul.f32 v19, v7;
	v12 =	vmul.f32 $1.000000000e+01, v15  }
0x92: {  	vm4 =	veq.s32 v4, v5;
	vm0 =	vmand vm1, vm0;
	vm1 =	vmand vm3, vm2;
	v10 =	vld.idx.msk [tilespmem:v13+s4+$0x0], $0xffff  }
.Ltmp3:
0x93: {  	v5 =	vmul.f32 v9, v9;
	v4 =	vsel vm4, v11, v7;
	v7 =	vmul.f32 v12, v15;
	(pc) =	sbr.rel @p1 .LBB2_8-.Ltmp3, $4  }
0x94: {  	v9 =	vand.u32 $0xFFFFFFF8, v6;
	v4 =	vnsel vm0, $0x0, v4;
	vm0 =	veq.s32 v16, v17  }
0x95: {  	s31 =	sshra.s32 s30, $0x2;
	v11 =	vand.u32 $0xFFFFFFF8, v8;
	v3 =	vadd.f32 v4, v3;
	v12 =	vsel vm0, v5, v7  }
0x96: {  	v4 =	vand.u32 $0x7, v8;
	v5 =	vand.u32 $0x7, v14;
	v7 =	vld [tilespmem:s31+$0x19410];
	v15 =	vnsel vm1, $0x0, v12  }
0x97: {  	s30 =	sadd.s32 $0x80, s30;
	v13 =	vand.u32 $0xFFFFFFF8, v14;
	v12 =	vsub.s32 v4, v5;
	v8 =	vld [tilespmem:s31+$0x19400];
	v3 =	vadd.f32 v15, v3  }
0x98: {  	_ =	sdelay $0x1  }
0x99: {  	v14 =	vsub.s32 $0x0, v12;
	v6 =	vand.u32 $0x7, v6;
	v15 =	vld [tilespmem:s31+$0x19A80];
	v16 =	vand.u32 $0x7, v10  }
0x9a: {  	v11 =	vsub.f32 v11, v13;
	v10 =	vand.u32 $0xFFFFFFF8, v10;
	v12 =	vmin.u32 v12, v14  }
0x9b: {  	vm4 =	veq.s32 v4, v5;
	v13 =	vsub.s32 v6, v16;
	v14 =	vld [tilespmem:s31+$0x19A90];
	v12 =	vcvt.s32.f32 v12  }
0x9c: {  	s29 =	sadd.s32 $0x20, s29;
	v9 =	vsub.f32 v9, v10;
	v17 =	vsub.s32 $0x0, v13;
	v18 =	vand.u32 $0x7FFFFFFF, v11  }
0x9d: {  	s30 =	sadd.s32 $0x10, s29;
	v49 =	vor.u32 s29, v1;
	v10 =	vmin.u32 v13, v17;
	v12 =	vsub.f32 v12, v18  }
0x9e: {  	vm12 =	veq.s32 v6, v16;
	v19 =	vmov s30;
	v10 =	vcvt.s32.f32 v10  }
0x9f: {  	v51 =	vor.u32 s30, v1;
	v50 =	vand.u32 $0x7FFFFFFF, v9;
	v8 =	vld.idx.msk [tilespmem:v8+s4+$0x0], $0xffff;
	v12 =	vmax.f32 v12, $0.0e+00  }
0xa0: {  	v13 =	vmov s29;
	v7 =	vld.idx.msk [tilespmem:v7+s4+$0x0], $0xffff;
	v10 =	vsub.f32 v10, v50;
	v20 =	vmul.f32 $1.000000000e+01, v12  }
0xa1: {  	vm0 =	vge.u32 v49, v0;
	v11 =	vmul.f32 v11, v11;
	vm1 =	vlt.u32 v13, $0x186A0;
	v13 =	vld.idx.msk [tilespmem:v15+s4+$0x0], $0xffff  }
0xa2: {  	vm2 =	vge.u32 v51, v0;
	v10 =	vmax.f32 v10, $0.0e+00;
	v12 =	vmul.f32 v20, v12  }
0xa3: {  	vm3 =	vlt.u32 v19, $0x186A0;
	v5 =	vmul.f32 v9, v9;
	v15 =	vmul.f32 $1.000000000e+01, v10;
	v14 =	vld.idx.msk [tilespmem:v14+s4+$0x0], $0xffff  }
0xa4: {  	vm1 =	vmand vm1, vm0;
	_ =	swait.ge [sflag:s24], $0x620;
	v6 =	vand.u32 $0xFFFFFFF8, v8;
	v4 =	vsel vm4, v11, v12  }
0xa5: {  	[sflag:s24] =	ssyncset.done $0x0;
	v9 =	vmul.f32 v15, v10;
	v10 =	vand.u32 $0xFFFFFFF8, v7;
	v4 =	vnsel vm1, $0x0, v4  }
0xa6: {  	[sflag:s24] =	ssyncadd.s32 $0xFFFFF9E0;
	v3 =	vadd.f32 v4, v3;
	v4 =	vand.u32 $0x7, v8;
	v8 =	vand.u32 $0x7, v13  }
0xa7: {  	v7 =	vand.u32 $0x7, v7;
	_ =	swait.ge [sflag:s24], $0x620;
	v5 =	vsel vm12, v5, v9;
	v11 =	vsub.s32 v4, v8  }
0xa8: {  	v9 =	vand.u32 $0xFFFFFFF8, v13;
	[sflag:s24] =	ssyncset.done $0x0;
	v13 =	vand.u32 $0x7, v14;
	v12 =	vsub.s32 $0x0, v11  }
0xa9: {  	s30 =	simm.s32 $0x0;
	[sflag:s24] =	ssyncadd.s32 $0xFFFFF9E0;
	v6 =	vsub.f32 v6, v9;
	v9 =	vmin.u32 v11, v12;
	v11 =	vsub.s32 v7, v13  }
0xaa: {  	v14 =	vand.u32 $0xFFFFFFF8, v14;
	v52 =	vld [tilespmem:s30+$0x1AE00];
	v9 =	vcvt.s32.f32 v9;
	v15 =	vsub.s32 $0x0, v11  }
0xab: {  	s29 =	sadd.s32 $0x20, s29;
	v10 =	vsub.f32 v10, v14;
	v14 =	vld [tilespmem:s30+$0x1B480];
	v53 =	vand.u32 $0x7FFFFFFF, v6;
	v11 =	vmin.u32 v11, v15  }
0xac: {  	v55 =	vor.u32 s29, v1;
	v12 =	vld [tilespmem:s30+$0x1AE10];
	v9 =	vsub.f32 v9, v53;
	v11 =	vcvt.s32.f32 v11  }
0xad: {  	vm11 =	vmand vm3, vm2;
	vm13 =	vge.u32 v55, v0;
	v54 =	vld [tilespmem:s30+$0x1B490];
	v15 =	vand.u32 $0x7FFFFFFF, v10  }
0xae: {  	v5 =	vnsel vm11, $0x0, v5;
	v9 =	vmax.f32 v9, $0.0e+00;
	v11 =	vsub.f32 v11, v15  }
0xaf: {  	vm6 =	veq.s32 v4, v8;
	v3 =	vadd.f32 v5, v3;
	v57 =	vmul.f32 $1.000000000e+01, v9  }
0xb0: {  	v5 =	vmov s29;
	v6 =	vmul.f32 v6, v6;
	v11 =	vmax.f32 v11, $0.0e+00  }
0xb1: {  	s30 =	sadd.s32 $0x10, s29;
	vm14 =	vlt.u32 v5, $0x186A0;
	v5 =	vmul.f32 v57, v9;
	v9 =	vmul.f32 $1.000000000e+01, v11  }
0xb2: {  	vm8 =	veq.s32 v7, v13;
	v56 =	vor.u32 s30, v1;
	vm0 =	vmand vm14, vm13;
	v4 =	vld.idx.msk [tilespmem:v52+s4+$0x0], $0xffff  }
0xb3: {  	v5 =	vsel vm6, v6, v5;
	v6 =	vmul.f32 v10, v10;
	v8 =	vmul.f32 v9, v11;
	v9 =	vld.idx.msk [tilespmem:v14+s4+$0x0], $0xffff  }
0xb4: {  	vm15 =	vge.u32 v56, v0;
	v15 =	vmov s30;
	v12 =	vld.idx.msk [tilespmem:v12+s4+$0x0], $0xffff;
	v5 =	vnsel vm0, $0x0, v5  }
0xb5: {  	vm7 =	vlt.u32 v15, $0x186A0;
	v3 =	vadd.f32 v5, v3;
	v5 =	vsel vm8, v6, v8;
	v6 =	vld.idx.msk [tilespmem:v54+s4+$0x0], $0xffff  }
0xb6: {  	vm1 =	vmand vm7, vm15  }
0xb7: {  	v7 =	vand.u32 $0x7, v4;
	v5 =	vnsel vm1, $0x0, v5  }
0xb8: {  	s29 =	simm.s32 $0x20;
	v4 =	vand.u32 $0xFFFFFFF8, v4;
	v3 =	vadd.f32 v5, v3;
	v8 =	vand.u32 $0x7, v9  }
0xb9: {  	v10 =	vld [tilespmem:s29+$0x1AE10];
	v5 =	vand.u32 $0xFFFFFFF8, v12;
	v12 =	vand.u32 $0x7, v12;
	v11 =	vsub.s32 v7, v8  }
0xba: {  	v13 =	vld [tilespmem:s29+$0x1AE00];
	v9 =	vand.u32 $0xFFFFFFF8, v9;
	v14 =	vsub.s32 $0x0, v11;
	v15 =	vand.u32 $0x7, v6  }
0xbb: {  	v58 =	vld [tilespmem:s29+$0x1B480];
	v4 =	vsub.f32 v4, v9;
	v9 =	vmin.u32 v11, v14;
	v11 =	vsub.s32 v12, v15  }
0xbc: {  	v6 =	vand.u32 $0xFFFFFFF8, v6;
	v9 =	vcvt.s32.f32 v9;
	v14 =	vsub.s32 $0x0, v11  }
0xbd: {  	v59 =	vand.u32 $0x7FFFFFFF, v4;
	v5 =	vsub.f32 v5, v6;
	v6 =	vmin.u32 v11, v14;
	v14 =	vld [tilespmem:s29+$0x1B490]  }
0xbe: {  	v60 =	vor.u32 s12, v1;
	s30 =	sadd.s32 $0x10, s12;
	v9 =	vsub.f32 v9, v59;
	v6 =	vcvt.s32.f32 v6  }
0xbf: {  	vm9 =	vge.u32 v60, v0;
	v62 =	vmov s30;
	v61 =	vand.u32 $0x7FFFFFFF, v5  }
0xc0: {  	v63 =	vor.u32 s30, v1;
	v9 =	vmax.f32 v9, $0.0e+00;
	v18 =	vsub.f32 v6, v61  }
0xc1: {  	vm11 =	vge.u32 v63, v0;
	v11 =	vmov s12;
	v6 =	vld.idx.msk [tilespmem:v10+s4+$0x0], $0xffff;
	v10 =	vmul.f32 $1.000000000e+01, v9  }
0xc2: {  	v13 =	vld.idx.msk [tilespmem:v13+s4+$0x0], $0xffff;
	v4 =	vmul.f32 v4, v4;
	vm10 =	vlt.u32 v11, $0x186A0;
	v11 =	vmax.f32 v18, $0.0e+00  }
0xc3: {  	vm12 =	vlt.u32 v62, $0x186A0;
	v16 =	vld.idx.msk [tilespmem:v58+s4+$0x0], $0xffff;
	v9 =	vmul.f32 v10, v9;
	v10 =	vmul.f32 $1.000000000e+01, v11  }
0xc4: {  	vm14 =	vmand vm12, vm11;
	vm13 =	veq.s32 v7, v8;
	v5 =	vmul.f32 v5, v5  }
0xc5: {  	vm0 =	vmand vm10, vm9;
	v4 =	vsel vm13, v4, v9;
	v7 =	vmul.f32 v10, v11;
	v10 =	vld.idx.msk [tilespmem:v14+s4+$0x0], $0xffff  }
0xc6: {  	vm15 =	veq.s32 v12, v15;
	v9 =	vand.u32 $0xFFFFFFF8, v6;
	v4 =	vnsel vm0, $0x0, v4  }
0xc7: {  	s31 =	simm.s32 $0x40;
	v11 =	vand.u32 $0xFFFFFFF8, v13;
	v3 =	vadd.f32 v4, v3;
	v8 =	vsel vm15, v5, v7  }
0xc8: {  	v7 =	vld [tilespmem:s31+$0x1AE10];
	v4 =	vand.u32 $0x7, v13;
	v5 =	vand.u32 $0x7, v16;
	v14 =	vnsel vm14, $0x0, v8  }
0xc9: {  	s30 =	simm.s32 $0x180;
	s29 =	smov.u32 s12;
	v13 =	vand.u32 $0xFFFFFFF8, v16;
	v8 =	vld [tilespmem:s31+$0x1AE00];
	v12 =	vsub.s32 v4, v5;
	v3 =	vadd.f32 v14, v3  }
.LBB2_10:
0xca: {  	p1 =	sne.s32 s30, $0x1800;
	v14 =	vld [tilespmem:s31+$0x1B480];
	v15 =	vsub.s32 $0x0, v12;
	v16 =	vand.u32 $0x7, v6;
	v17 =	vand.u32 $0x7, v10  }
0xcb: {  	v11 =	vsub.f32 v11, v13;
	v6 =	vmin.u32 v12, v15;
	v12 =	vsub.s32 v16, v17  }
0xcc: {  	v10 =	vand.u32 $0xFFFFFFF8, v10;
	v13 =	vld [tilespmem:s31+$0x1B490];
	v6 =	vcvt.s32.f32 v6;
	v15 =	vsub.s32 $0x0, v12  }
0xcd: {  	s29 =	sadd.s32 $0x20, s29;
	v9 =	vsub.f32 v9, v10;
	v18 =	vand.u32 $0x7FFFFFFF, v11;
	v10 =	vmin.u32 v12, v15  }
0xce: {  	s31 =	sadd.s32 $0x10, s29;
	v15 =	vmov s29;
	v12 =	vsub.f32 v6, v18;
	v10 =	vcvt.s32.f32 v10  }
0xcf: {  	v19 =	vand.u32 $0x7FFFFFFF, v9;
	v20 =	vmov s31;
	v18 =	vor.u32 s29, v1  }
0xd0: {  	v6 =	vld.idx.msk [tilespmem:v7+s4+$0x0], $0xffff;
	v7 =	vmax.f32 v12, $0.0e+00;
	v10 =	vsub.f32 v10, v19;
	v12 =	vor.u32 s31, v1  }
0xd1: {  	vm1 =	vlt.u32 v15, $0x186A0;
	vm0 =	vge.u32 v18, v0;
	v8 =	vld.idx.msk [tilespmem:v8+s4+$0x0], $0xffff;
	v19 =	vmul.f32 $1.000000000e+01, v7  }
0xd2: {  	v11 =	vmul.f32 v11, v11;
	vm2 =	vge.u32 v12, v0;
	v14 =	vld.idx.msk [tilespmem:v14+s4+$0x0], $0xffff;
	v15 =	vmax.f32 v10, $0.0e+00  }
0xd3: {  	vm3 =	vlt.u32 v20, $0x186A0;
	v7 =	vmul.f32 v19, v7;
	v12 =	vmul.f32 $1.000000000e+01, v15  }
0xd4: {  	vm4 =	veq.s32 v4, v5;
	vm0 =	vmand vm1, vm0;
	vm1 =	vmand vm3, vm2;
	v10 =	vld.idx.msk [tilespmem:v13+s4+$0x0], $0xffff  }
.Ltmp4:
0xd5: {  	v5 =	vmul.f32 v9, v9;
	v4 =	vsel vm4, v11, v7;
	v7 =	vmul.f32 v12, v15;
	(pc) =	sbr.rel @p1 .LBB2_10-.Ltmp4, $4  }
0xd6: {  	v9 =	vand.u32 $0xFFFFFFF8, v6;
	v4 =	vnsel vm0, $0x0, v4;
	vm0 =	veq.s32 v16, v17  }
0xd7: {  	s31 =	sshra.s32 s30, $0x2;
	v11 =	vand.u32 $0xFFFFFFF8, v8;
	v3 =	vadd.f32 v4, v3;
	v12 =	vsel vm0, v5, v7  }
0xd8: {  	v4 =	vand.u32 $0x7, v8;
	v5 =	vand.u32 $0x7, v14;
	v7 =	vld [tilespmem:s31+$0x1AE10];
	v15 =	vnsel vm1, $0x0, v12  }
0xd9: {  	s30 =	sadd.s32 $0x80, s30;
	v13 =	vand.u32 $0xFFFFFFF8, v14;
	v12 =	vsub.s32 v4, v5;
	v8 =	vld [tilespmem:s31+$0x1AE00];
	v3 =	vadd.f32 v15, v3  }
0xda: {  	v14 =	vsub.s32 $0x0, v12  }
0xdb: {  	v6 =	vand.u32 $0x7, v6;
	v15 =	vld [tilespmem:s31+$0x1B480];
	v16 =	vand.u32 $0x7, v10;
	v11 =	vsub.f32 v11, v13  }
0xdc: {  	v34 =	vand.u32 $0xFFFFFFF8, v10;
	s29 =	sadd.s32 $0x20, s29;
	vm4 =	veq.s32 v4, v5;
	v12 =	vmin.u32 v12, v14  }
0xdd: {  	v33 =	vld [tilespmem:s31+$0x1B490];
	v32 =	vsub.s32 v6, v16;
	v9 =	vsub.f32 v9, v34;
	v36 =	vmov s29  }
0xde: {  	v37 =	vor.u32 s29, v1;
	vm9 =	veq.s32 v6, v16;
	v17 =	vsub.s32 $0x0, v32  }
0xdf: {  	s30 =	sadd.s32 $0x10, s29;
	v12 =	vcvt.s32.f32 v12;
	v18 =	vand.u32 $0x7FFFFFFF, v11;
	v35 =	vmin.u32 v32, v17  }
0xe0: {  	v19 =	vmov s30;
	v39 =	vor.u32 s30, v1;
	v10 =	vcvt.s32.f32 v35  }
0xe1: {  	s29 =	sadd.s32 $0x20, s29;
	vm0 =	vge.u32 v37, v0;
	vm1 =	vlt.u32 v36, $0x186A0;
	v38 =	vand.u32 $0x7FFFFFFF, v9;
	v7 =	vld.idx.msk [tilespmem:v7+s4+$0x0], $0xffff  }
0xe2: {  	v11 =	vmul.f32 v11, v11;
	v55 =	vmov s29;
	v8 =	vld.idx.msk [tilespmem:v8+s4+$0x0], $0xffff;
	v10 =	vsub.f32 v10, v38  }
0xe3: {  	v57 =	vor.u32 s29, v1;
	vm2 =	vge.u32 v39, v0;
	v12 =	vsub.f32 v12, v18;
	v40 =	vld.idx.msk [tilespmem:v15+s4+$0x0], $0xffff  }
0xe4: {  	vm3 =	vlt.u32 v19, $0x186A0;
	vm0 =	vmand vm1, vm0;
	v10 =	vmax.f32 v10, $0.0e+00  }
0xe5: {  	s31 =	sadd.s32 $0x10, s29;
	v9 =	vmul.f32 v9, v9;
	v12 =	vmax.f32 v12, $0.0e+00;
	v42 =	vld.idx.msk [tilespmem:v33+s4+$0x0], $0xffff;
	v41 =	vmul.f32 $1.000000000e+01, v10  }
0xe6: {  	v58 =	vmov s31;
	v59 =	vor.u32 s31, v1;
	v20 =	vmul.f32 $1.000000000e+01, v12  }
0xe7: {  	v43 =	vand.u32 $0xFFFFFFF8, v7;
	v7 =	vand.u32 $0x7, v7;
	v10 =	vmul.f32 v41, v10  }
0xe8: {  	v12 =	vmul.f32 v20, v12;
	v45 =	vand.u32 $0x7, v8;
	v46 =	vand.u32 $0x7, v40  }
0xe9: {  	v44 =	vand.u32 $0xFFFFFFF8, v8;
	v9 =	vsel vm9, v9, v10;
	v48 =	vsub.s32 v45, v46  }
0xea: {  	v47 =	vand.u32 $0xFFFFFFF8, v40;
	v14 =	vand.u32 $0x7, v42;
	v49 =	vsub.s32 $0x0, v48  }
0xeb: {  	v6 =	vsub.f32 v44, v47;
	v51 =	vsub.s32 v7, v14;
	v50 =	vmin.u32 v48, v49  }
0xec: {  	v4 =	vand.u32 $0xFFFFFFF8, v42;
	v52 =	vsub.s32 $0x0, v51;
	v10 =	vcvt.s32.f32 v50  }
0xed: {  	v4 =	vsub.f32 v43, v4;
	v53 =	vand.u32 $0x7FFFFFFF, v6;
	v54 =	vmin.u32 v51, v52  }
0xee: {  	v5 =	vsel vm4, v11, v12;
	v11 =	vcvt.s32.f32 v54;
	v10 =	vsub.f32 v10, v53  }
0xef: {  	vm10 =	vge.u32 v57, v0;
	vm11 =	vlt.u32 v55, $0x186A0;
	v56 =	vand.u32 $0x7FFFFFFF, v4  }
0xf0: {  	vm8 =	vmand vm3, vm2;
	v11 =	vsub.f32 v11, v56;
	v10 =	vmax.f32 v10, $0.0e+00  }
0xf1: {  	vm12 =	vge.u32 v59, v0;
	v5 =	vnsel vm0, $0x0, v5;
	v60 =	vmul.f32 $1.000000000e+01, v10  }
0xf2: {  	v3 =	vadd.f32 v5, v3;
	v6 =	vmul.f32 v6, v6;
	v11 =	vmax.f32 v11, $0.0e+00  }
0xf3: {  	v9 =	vnsel vm8, $0x0, v9;
	v62 =	vmul.f32 $1.000000000e+01, v11;
	v61 =	vmul.f32 v60, v10  }
0xf4: {  	vm0 =	vmand vm11, vm10;
	vm13 =	veq.s32 v45, v46;
	v3 =	vadd.f32 v9, v3  }
0xf5: {  	v4 =	vmul.f32 v4, v4;
	v63 =	vmul.f32 v62, v11;
	v5 =	vsel vm13, v6, v61  }
0xf6: {  	vm14 =	vlt.u32 v58, $0x186A0;
	vm15 =	veq.s32 v7, v14;
	v5 =	vnsel vm0, $0x0, v5  }
0xf7: {  	vm1 =	vmand vm14, vm12;
	v4 =	vsel vm15, v4, v63;
	v3 =	vadd.f32 v5, v3  }
0xf8: {  	v4 =	vnsel vm1, $0x0, v4  }
0xf9: {  	v3 =	vadd.f32 v4, v3;
	_ =	sdelay $0x1  }
0xfa: {  	v3 =	vmul.f32 $9.999999740e-06, v3;
	_ =	sdelay $0x1  }
0xfb: {  	[tilespmem:$0x1BB00] =	vst v3  }
0xfc: {  	[spmem:s7] =	stream.linear.scatter [tilespmem:s25], [sflag:$0x4], $0x10, $0x38;
	[tilespmem:$0x1BC90] =	vst v63  }
0xfd: {  	_ =	swait.ge [sflag:s26], $0x10  }
0xfe: {  	[sflag:s26] =	ssyncset.done $0x0  }
0xff: {  	[sflag:s26] =	ssyncadd.s32 $0xFFFFFFF0  }
0x100: {  	s29 =	simm.s32 @!p0 $0x1BB80;
	[bflag:$0x0] =	sbarrier.arrive $0xFFFF  }
0x101: {  	[tilespmem:s29], [sflag:$0x4] =	stream.linear.gather @!p0 [spmem:s3], $0x100, $0x38;
	[tilespmem:$0x1BC90] =	vst v63  }
0x102: {  	s29 =	simm.s32 @!p0 $0x4  }
0x103: {  	_ =	swait.ge @!p0 [sflag:s29], $0x100  }
0x104: {  	[sflag:s29] =	ssyncset.done @!p0 $0x0  }
0x105: {  	[sflag:s29] =	ssyncadd.s32 @!p0 $0xFFFFFF00  }
0x106: {  	v3 =	vld @!p0 [tilespmem:$0x1BB80];
	_ =	sdelay $0x1  }
0x107: {  	v4 =	vld @!p0 [tilespmem:$0x1BB90];
	_ =	sdelay $0x1  }
0x108: {  	v5 =	vld @!p0 [tilespmem:$0x1BBA0]  }
0x109: {  	v3 =	vadd.f32 @!p0 $0.0e+00, v3  }
0x10a: {  	v6 =	vld @!p0 [tilespmem:$0x1BBB0]  }
0x10b: {  	v3 =	vadd.f32 @!p0 v4, v3  }
0x10c: {  	v4 =	vld @!p0 [tilespmem:$0x1BBC0]  }
0x10d: {  	v3 =	vadd.f32 @!p0 v5, v3  }
0x10e: {  	v5 =	vld @!p0 [tilespmem:$0x1BBD0]  }
0x10f: {  	v3 =	vadd.f32 @!p0 v6, v3  }
0x110: {  	v6 =	vld @!p0 [tilespmem:$0x1BBE0]  }
0x111: {  	v3 =	vadd.f32 @!p0 v4, v3  }
0x112: {  	v4 =	vld @!p0 [tilespmem:$0x1BBF0]  }
0x113: {  	v3 =	vadd.f32 @!p0 v5, v3  }
0x114: {  	v5 =	vld @!p0 [tilespmem:$0x1BC00]  }
0x115: {  	v3 =	vadd.f32 @!p0 v6, v3  }
0x116: {  	v6 =	vld @!p0 [tilespmem:$0x1BC10]  }
0x117: {  	v3 =	vadd.f32 @!p0 v4, v3  }
0x118: {  	v4 =	vld @!p0 [tilespmem:$0x1BC20]  }
0x119: {  	v3 =	vadd.f32 @!p0 v5, v3  }
0x11a: {  	v5 =	vld @!p0 [tilespmem:$0x1BC30]  }
0x11b: {  	v3 =	vadd.f32 @!p0 v6, v3  }
0x11c: {  	v6 =	vld @!p0 [tilespmem:$0x1BC40]  }
0x11d: {  	v3 =	vadd.f32 @!p0 v4, v3  }
0x11e: {  	v4 =	vld @!p0 [tilespmem:$0x1BC50]  }
0x11f: {  	v3 =	vadd.f32 @!p0 v5, v3  }
0x120: {  	v5 =	vld @!p0 [tilespmem:$0x1BC60]  }
0x121: {  	v3 =	vadd.f32 @!p0 v6, v3  }
0x122: {  	v6 =	vld @!p0 [tilespmem:$0x1BC70]  }
0x123: {  	v3 =	vadd.f32 @!p0 v4, v3;
	_ =	sdelay $0x1  }
0x124: {  	v3 =	vadd.f32 @!p0 v5, v3;
	_ =	sdelay $0x1  }
0x125: {  	s28 =	sadd.s32 $0x1, s28;
	v3 =	vadd.f32 @!p0 v6, v3  }
0x126: {  	p1 =	sne.s32 s28, s9  }
.Ltmp5:
0x127: {  	s30 =	simm.s32 @!p0 $0x0;
	s31 =	simm.s32 @!p0 $0x1BB00;
	[tilespmem:$0x1BB00] =	vst @!p0 v3;
	(pc) =	sbr.rel @p1 .LBB2_1-.Ltmp5, $4  }
0x128: {  	[hbm4b:s8+s30] =	stream.linear.scatter @!p0 [tilespmem:s31], [sflag:$0x4], $0x10, $0x38;
	[tilespmem:$0x1BC90] =	vst v63  }
0x129: {  	_ =	swait.ge @!p0 [sflag:s29], $0x10  }
0x12a: {  	[sflag:s29] =	ssyncset.done @!p0 $0x0  }
0x12b: {  	[sflag:s29] =	ssyncadd.s32 @!p0 $0xFFFFFFF0  }
0x12c: {  	_ =	sfence.sel $0x180000  }
0x12d: {  	[bflag:$0x0] =	sbarrier.arrive $0xFFFF  }
0x12e: {  	_ =	strace $0x90000047  }
0x12f: {  	s0 =	sadd.s32 @!p0 $0x100000, s2;
	[bflag:$0x2] =	sbarrier.arrive $0xFFFF  }
0x130: {  	[sflag:s0] =	ssyncadd.tile.s32 @!p0 $0x1;
	_ =	shalt  }
.Lfunc_end2:
_tile_overlayer_lowered:
.L_overlay_start_2:
0x131: {  	(tag) =	ssettag $0x2  }
0x132: {  	s0 =	rddreg [dreg:$0x0];
	s2 =	stileid.u32  }
0x133: {  	s1 =	rddreg [dreg:$0x1];
	p0 =	sne.s32 s2, $0x0  }
0x134: {  	s3 =	rddreg [dreg:$0x2];
	[bflag:$0x3] =	sbarrier.arrive $0xFFFF;
	s2 =	simm.s32 @!p0 $0x1C04  }
0x135: {  	[timem:s3], [sflag:s2] =	dma.local @!p0 [hbm:s0], s1  }
0x136: {  	s0 =	simm.s32 @!p0 $0x4  }
0x137: {  	_ =	swait.ge @!p0 [sflag:s0], s1  }
0x138: {  	s1 =	ssub.s32 @!p0 $0x0, s1;
	[sflag:s0] =	ssyncset.done @!p0 $0x0  }
0x139: {  	[sflag:s0] =	ssyncadd.s32 @!p0 s1  }
0x13a: {  	[bflag:$0x3] =	sbarrier.arrive $0xFFFF  }
0x13b: {  	_ =	shalt  }

</sc_bundles>
